<compile_context>
chip_gen: v7x
topology: tpu7x:2x2x1
jax: 0.10.2.dev20260603
libtpu: 0.0.44.dev20260713+nightly
codegen_flags: <defaults>
</compile_context>

<pallas_src>
import functools

import jax
import jax.numpy as jnp
import numpy as np
from jax import lax
from jax.experimental import pallas as pl
from jax.experimental.pallas import tpu as pltpu
from jax.experimental.pallas import tpu_sc as plsc

_N = 10000
_E = 320000
_MUL = 32
_AVG_NUM_NEIGHBORS = 32.0

_NC = 2
_NS = 16
_NW = _NC * _NS

_CHUNK = 80
_EPW = _E // _NW
_EPT = _E // _NS
_RPT = 640
_ACC_ROWS = _RPT * _NS
_LAST_ROWS = _N - _RPT * (_NS - 1)


def _perm128() -> np.ndarray:
    p = np.zeros((128, 128), np.float32)
    for c in range(_MUL):
        p[c, c] = 1.0
        for i in range(3):
            p[_MUL + 3 * c + i, _MUL + 32 * i + c] = 1.0
    return p


def _perm256() -> np.ndarray:
    p = np.zeros((256, 256), np.float32)
    for j in range(64):
        p[j, j] = 1.0
    for i in range(3):
        for c in range(64):
            p[64 + 64 * i + c, 64 + 3 * c + i] = 1.0
    return p


_P128 = _perm128()
_P256 = _perm256()



def _permute_body(x_ref, p_ref, o_ref):
    o_ref[...] = jnp.dot(x_ref[...], p_ref[...],
                         preferred_element_type=jnp.float32)


def _planarize_nodes(node_feats, p128):
    blk = 1000
    return pl.pallas_call(
        _permute_body,
        grid=(_N // blk,),
        in_specs=[pl.BlockSpec((blk, 128), lambda i: (i, 0)),
                  pl.BlockSpec((128, 128), lambda i: (0, 0))],
        out_specs=pl.BlockSpec((blk, 128), lambda i: (i, 0)),
        out_shape=jax.ShapeDtypeStruct((_N, 128), jnp.float32),
    )(node_feats, p128)


def _unpermute_body(x_ref, p_ref, o_ref):
    x = jnp.concatenate([x_ref[0], x_ref[1]], axis=1)
    o_ref[...] = jnp.dot(x, p_ref[...], preferred_element_type=jnp.float32)


def _unpermute_out(out_planar, p256):
    blk = 1000
    return pl.pallas_call(
        _unpermute_body,
        grid=(_N // blk,),
        in_specs=[pl.BlockSpec((2, blk, 128), lambda i: (0, i, 0)),
                  pl.BlockSpec((256, 256), lambda i: (0, 0))],
        out_specs=pl.BlockSpec((blk, 256), lambda i: (i, 0)),
        out_shape=jax.ShapeDtypeStruct((_N, 256), jnp.float32),
    )(out_planar, p256)


def _msg_body(g_ref, ea_ref, w1_ref, w2_ref, w3_ref, o_ref):
    g = g_ref[...]
    ea = ea_ref[...]
    y0 = ea[:, 0:1]
    h = jax.nn.swish(y0 * w1_ref[...])
    h = jax.nn.swish(jnp.dot(h, w2_ref[...], preferred_element_type=jnp.float32))
    mix = jnp.dot(h, w3_ref[...], preferred_element_type=jnp.float32)

    ms = g[:, 0:32]
    vx = g[:, 32:64]
    vy = g[:, 64:96]
    vz = g[:, 96:128]
    b1 = ea[:, 1:2]
    b2 = ea[:, 2:3]
    b3 = ea[:, 3:4]
    tp_s = (vx * b1 + vy * b2 + vz * b3) * np.float32(1.0 / np.sqrt(3.0))

    mix_a = mix[:, 0:32]
    mix_b = mix[:, 32:64]
    mv0 = mix[:, 64:96]
    mv1 = mix[:, 96:128]
    msv1 = ms * mv1
    lo = jnp.concatenate([ms * mix_a, tp_s * mix_b, vx * mv0, msv1 * b1], axis=1)
    hi = jnp.concatenate([vy * mv0, msv1 * b2, vz * mv0, msv1 * b3], axis=1)
    o_ref[0] = lo
    o_ref[1] = hi


def _messages(g, edge_attrs, w1, w2s, w3s):
    blk = 512
    return pl.pallas_call(
        _msg_body,
        grid=(_E // blk,),
        in_specs=[pl.BlockSpec((blk, 128), lambda i: (i, 0)),
                  pl.BlockSpec((blk, 4), lambda i: (i, 0)),
                  pl.BlockSpec((1, 64), lambda i: (0, 0)),
                  pl.BlockSpec((64, 64), lambda i: (0, 0)),
                  pl.BlockSpec((64, 128), lambda i: (0, 0))],
        out_specs=pl.BlockSpec((2, blk, 128), lambda i: (0, i, 0)),
        out_shape=jax.ShapeDtypeStruct((2, _E, 128), jnp.float32),
    )(g, edge_attrs, w1, w2s, w3s)



@functools.cache
def _build_sc_kernels():
    mesh = plsc.VectorSubcoreMesh(core_axis_name="c", subcore_axis_name="s",
                                  num_cores=_NC, num_subcores=_NS)

    @functools.partial(
        pl.kernel,
        out_type=jax.ShapeDtypeStruct((_E, 128), jnp.float32),
        mesh=mesh,
        scratch_types=[
            pltpu.VMEM((_CHUNK,), jnp.int32),
            pltpu.VMEM((_CHUNK, 128), jnp.float32),
            pltpu.SemaphoreType.DMA,
        ],
    )
    def gather_kernel(nf_hbm, senders_hbm, out_hbm, idx_v, rows_v, sem):
        wid = lax.axis_index("s") * _NC + lax.axis_index("c")
        base = wid * _EPW

        @pl.loop(0, _EPW // _CHUNK)
        def _(k):
            e0 = base + k * _CHUNK
            pltpu.sync_copy(senders_hbm.at[pl.ds(e0, _CHUNK)], idx_v)
            pltpu.async_copy(nf_hbm.at[idx_v], rows_v, sem).wait()
            pltpu.sync_copy(rows_v, out_hbm.at[pl.ds(e0, _CHUNK)])

    @functools.partial(
        pl.kernel,
        out_type=jax.ShapeDtypeStruct((2, _ACC_ROWS, 128), jnp.float32),
        mesh=mesh,
        scratch_types=[
            pltpu.VMEM((_CHUNK,), jnp.int32),
            pltpu.VMEM((_CHUNK, 128), jnp.float32),
            pltpu.VMEM_SHARED((_ACC_ROWS, 128), jnp.float32),
        ],
    )
    def scatter_kernel(m_hbm, recv_hbm, zeros_hbm, out_hbm, ridx_v, rows_v,
                       acc):
        cid = lax.axis_index("c")
        sid = lax.axis_index("s")

        r0 = sid * _RPT
        pltpu.sync_copy(zeros_hbm, rows_v)

        @pl.loop(0, _RPT // _CHUNK)
        def _(j):
            pltpu.sync_copy(rows_v, acc.at[pl.ds(r0 + j * _CHUNK, _CHUNK)])

        plsc.subcore_barrier()

        base = sid * _EPT

        @pl.loop(0, _EPT // _CHUNK)
        def _(k):
            e0 = base + k * _CHUNK
            pltpu.sync_copy(recv_hbm.at[pl.ds(e0, _CHUNK)], ridx_v)
            pltpu.sync_copy(m_hbm.at[cid].at[pl.ds(e0, _CHUNK)], rows_v)
            pltpu.sync_copy(rows_v, acc.at[ridx_v], add=True)

        plsc.subcore_barrier()

        @pl.loop(0, _RPT // _CHUNK)
        def _(j):
            pltpu.sync_copy(acc.at[pl.ds(r0 + j * _CHUNK, _CHUNK)], rows_v)
            pltpu.sync_copy(rows_v, out_hbm.at[cid].at[pl.ds(r0 + j * _CHUNK, _CHUNK)])

    return gather_kernel, scatter_kernel



def kernel(node_feats, edge_attrs, senders, receivers, W1, W2, W3):
    p128 = jnp.asarray(_P128)
    p256 = jnp.asarray(_P256)
    w2s = W2 * np.float32(1.0 / 8.0)
    w3s = W3 * np.float32(1.0 / (8.0 * np.sqrt(_AVG_NUM_NEIGHBORS)))
    zeros = jnp.zeros((_CHUNK, 128), jnp.float32)

    gather_kernel, scatter_kernel = _build_sc_kernels()
    nf_planar = _planarize_nodes(node_feats, p128)
    g = gather_kernel(nf_planar, senders)
    m = _messages(g, edge_attrs, W1, w2s, w3s)
    out_planar = scatter_kernel(m, receivers, zeros)[:, :_N, :]
    return _unpermute_out(out_planar, p256)

# --- scband reference (transcript-rebuilt; emitter-appended) ---
"""Pipeline reference for scband-message-passing-convolution-48395691492084 (READ-ONLY COPY).

The authoritative reference and input builder live on the scoring server;
editing this copy changes nothing except your own understanding.
"""

import jax, jax.numpy as jnp
import numpy as np

N = 10000
E = 320000
MUL = 32  # multiplicity of 0e and 1o irreps in node features
AVG_NUM_NEIGHBORS = 32.0


def setup_inputs(seed: int = 0) -> dict:
    key = jax.random.key(seed)
    k1, k2, k3, k4, k5, k6, k7 = jax.random.split(key, 7)
    node_feats = jax.random.normal(k1, (N, 4 * MUL), dtype=jnp.float32)  # 32x0e + 32x1o -> 32 + 96 = 128
    edge_attrs = jax.random.normal(k2, (E, 4), dtype=jnp.float32)        # 1x0e + 1x1o spherical harmonics
    senders = jax.random.randint(k3, (E,), 0, N, dtype=jnp.int32)
    receivers = jax.random.randint(k4, (E,), 0, N, dtype=jnp.int32)
    # e3nn.flax.MultiLayerPerceptron params: layer dims (1 -> 64 -> 64 -> num_irreps=128), no bias
    W1 = jax.random.normal(k5, (1, 64), dtype=jnp.float32)
    W2 = jax.random.normal(k6, (64, 64), dtype=jnp.float32)
    W3 = jax.random.normal(k7, (64, 4 * MUL), dtype=jnp.float32)  # num_irreps of regrouped messages = 64+64 = 128
    return {"node_feats": node_feats, "edge_attrs": edge_attrs, "senders": senders,
            "receivers": receivers, "W1": W1, "W2": W2, "W3": W3}


def reference(node_feats, edge_attrs, senders, receivers, W1, W2, W3):
    n_nodes = node_feats.shape[0]
    # split node feats into irrep blocks: scalars [N,32], vectors [N,32,3]
    s = node_feats[:, :MUL]
    v = node_feats[:, MUL:].reshape(n_nodes, MUL, 3)
    # messages = node_feats[senders]  (gather)
    ms = s[senders]            # [E,32]
    mv = v[senders]            # [E,32,3]
    # edge sh: scalar part (0e) and vector part (1o)
    y0 = edge_attrs[:, :1]     # [E,1]
    y1 = edge_attrs[:, 1:4]    # [E,3]
    # tensor_product(messages, edge_attrs.filter(drop='0e')=1o, filter_ir_out=32x0e+32x1o):
    #   0e x 1o -> 1o  (scalar times vector)
    tp_v = ms[:, :, None] * y1[:, None, :]                     # [E,32,3]
    #   1o x 1o -> 0e  (normalized dot product, CG = 1/sqrt(3))
    tp_s = jnp.einsum('eci,ei->ec', mv, y1) / jnp.sqrt(3.0)    # [E,32]
    # concatenate([messages.filter(target), tp]).regroup() -> 64x0e + 64x1o
    msg_s = jnp.concatenate([ms, tp_s], axis=1)                # [E,64]
    msg_v = jnp.concatenate([mv, tp_v], axis=1)                # [E,64,3]
    # mix = MLP(edge_attrs.filter(keep='0e')); e3nn linear normalization 1/sqrt(fan_in), swish activations, no output act
    h = jax.nn.swish(y0 @ (W1 / jnp.sqrt(1.0)))
    h = jax.nn.swish(h @ (W2 / jnp.sqrt(64.0)))
    mix = h @ (W3 / jnp.sqrt(64.0))                            # [E,128] one scalar per irrep
    mix_s = mix[:, :2 * MUL]                                   # [E,64]
    mix_v = mix[:, 2 * MUL:]                                   # [E,64]
    msg_s = msg_s * mix_s
    msg_v = msg_v * mix_v[:, :, None]
    messages = jnp.concatenate([msg_s, msg_v.reshape(msg_v.shape[0], -1)], axis=1)  # [E,256]
    # zeros.at[receivers].add(messages)
    out = jnp.zeros((n_nodes, messages.shape[1]), messages.dtype).at[receivers].add(messages)
    return out / jnp.sqrt(AVG_NUM_NEIGHBORS)

if __name__ == "__main__":
    import jax
    _d = setup_inputs()
    print(jax.jit(kernel)(*tuple(_d.values())))

</pallas_src>

<mosaic_0001>
#map = affine_map<(d0, d1) -> (0, 0)>
#map1 = affine_map<(d0, d1) -> (0)>
module attributes {stable_mosaic.version = 14 : i64} {
  func.func @gather_kernel(%arg0: i32, %arg1: i32, %arg2: memref<10000x128xf32, #tpu.memory_space<hbm>>, %arg3: memref<320000xi32, #tpu.memory_space<hbm>>, %arg4: memref<320000x128xf32, #tpu.memory_space<hbm>>, %arg5: memref<80xi32, #tpu.memory_space<vmem>>, %arg6: memref<80x128xf32, #tpu.memory_space<vmem>>, %arg7: memref<!tpu.dma_semaphore, #tpu.memory_space<semaphore_mem>>) attributes {dimension_semantics = [#tpu.dimension_semantics<core_parallel>, #tpu.dimension_semantics<subcore_parallel>], iteration_bounds = array<i64: 2, 16>, scalar_prefetch = 0 : i64, scratch_operands = 3 : i64, tpu.core_type = #tpu.core_type<sc_vector_subcore>, window_params = [{transform_indices = #map}, {transform_indices = #map1}, {transform_indices = #map}]} {
    %mul3A = arith.constant 2 : i32
    %mul3A_0 = arith.muli %arg1, %mul3A : i32
    %add3A = arith.addi %mul3A_0, %arg0 : i32
    %mul3A_1 = arith.constant 10000 : i32
    %mul3A_2 = arith.muli %add3A, %mul3A_1 : i32
    %scan3A = arith.constant 0 : i32
    %scan3A_3 = arith.constant 125 : i32
    %scan3A_4 = arith.addi %scan3A, %scan3A_3 : i32
    %scan3A_5 = arith.constant 1 : i32
    scf.for %scan3A_7 = %scan3A to %scan3A_4 step %scan3A_5  : i32 {
      %mul3A_8 = arith.constant 1 : i32
      %mul3A_9 = arith.muli %scan3A_7, %mul3A_8 : i32
      %add3A_10 = arith.constant 0 : i32
      %add3A_11 = arith.addi %add3A_10, %mul3A_9 : i32
      %mul3A_12 = arith.constant 80 : i32
      %mul3A_13 = arith.muli %add3A_11, %mul3A_12 : i32
      %add3A_14 = arith.addi %mul3A_2, %mul3A_13 : i32
      "tpu.region"() ({
        %run_scoped3A = tpu.sem_alloc : memref<!tpu.dma_semaphore, #tpu.memory_space<semaphore_mem>>
        %dma_start3A_19 = tpu.memref_slice %arg3[%add3A_14] : memref<320000xi32, #tpu.memory_space<hbm>> -> memref<80xi32, #tpu.memory_space<hbm>>
        %dma_start3A_20 = tpu.memref_slice %arg3[%add3A_14] : memref<320000xi32, #tpu.memory_space<hbm>> -> memref<80xi32, #tpu.memory_space<hbm>>
        tpu.enqueue_dma source(%dma_start3A_20 : memref<80xi32, #tpu.memory_space<hbm>>) target(%arg5 : memref<80xi32, #tpu.memory_space<vmem>>) target_semaphore(%run_scoped3A : memref<!tpu.dma_semaphore, #tpu.memory_space<semaphore_mem>>)
        %dma_wait3A_21 = tpu.memref_slice %arg3[%add3A_14] : memref<320000xi32, #tpu.memory_space<hbm>> -> memref<80xi32, #tpu.memory_space<hbm>>
        %dma_wait3A_22 = tpu.memref_slice %arg3[%add3A_14] : memref<320000xi32, #tpu.memory_space<hbm>> -> memref<80xi32, #tpu.memory_space<hbm>>
        tpu.wait_dma2 semaphore(%run_scoped3A : memref<!tpu.dma_semaphore, #tpu.memory_space<semaphore_mem>>) src(%dma_wait3A_22 : memref<80xi32, #tpu.memory_space<hbm>>) dst(%arg5 : memref<80xi32, #tpu.memory_space<vmem>>)
        tpu.yield
      }) : () -> ()
      %dma_start3A = arith.constant 0 : i32
      %dma_start3A_15 = arith.constant 0 : i32
      %dma_start3A_16 = tpu.memref_slice %arg2[%dma_start3A, %dma_start3A_15] : memref<10000x128xf32, #tpu.memory_space<hbm>> -> memref<10000x128xf32, #tpu.memory_space<hbm>>
      tpu.enqueue_indirect_dma source(%dma_start3A_16 : memref<10000x128xf32, #tpu.memory_space<hbm>>) target(%arg6 : memref<80x128xf32, #tpu.memory_space<vmem>>) offsets(%arg5 : memref<80xi32, #tpu.memory_space<vmem>>) semaphore(%arg7 : memref<!tpu.dma_semaphore, #tpu.memory_space<semaphore_mem>>)
      %dma_wait3A = arith.constant 0 : i32
      %dma_wait3A_17 = arith.constant 0 : i32
      %dma_wait3A_18 = tpu.memref_slice %arg2[%dma_wait3A, %dma_wait3A_17] : memref<10000x128xf32, #tpu.memory_space<hbm>> -> memref<10000x128xf32, #tpu.memory_space<hbm>>
      tpu.wait_indirect_dma semaphore(%arg7 : memref<!tpu.dma_semaphore, #tpu.memory_space<semaphore_mem>>) src(%dma_wait3A_18 : memref<10000x128xf32, #tpu.memory_space<hbm>>) dst(%arg6 : memref<80x128xf32, #tpu.memory_space<vmem>>)
      "tpu.region"() ({
        %run_scoped3A = tpu.sem_alloc : memref<!tpu.dma_semaphore, #tpu.memory_space<semaphore_mem>>
        %dma_start3A_19 = arith.constant 0 : i32
        %dma_start3A_20 = tpu.memref_slice %arg4[%add3A_14, %dma_start3A_19] : memref<320000x128xf32, #tpu.memory_space<hbm>> -> memref<80x128xf32, #tpu.memory_space<hbm>>
        %dma_start3A_21 = arith.constant 0 : i32
        %dma_start3A_22 = tpu.memref_slice %arg4[%add3A_14, %dma_start3A_21] : memref<320000x128xf32, #tpu.memory_space<hbm>> -> memref<80x128xf32, #tpu.memory_space<hbm>>
        tpu.enqueue_dma source(%arg6 : memref<80x128xf32, #tpu.memory_space<vmem>>) target(%dma_start3A_22 : memref<80x128xf32, #tpu.memory_space<hbm>>) target_semaphore(%run_scoped3A : memref<!tpu.dma_semaphore, #tpu.memory_space<semaphore_mem>>)
        %dma_wait3A_23 = arith.constant 0 : i32
        %dma_wait3A_24 = tpu.memref_slice %arg4[%add3A_14, %dma_wait3A_23] : memref<320000x128xf32, #tpu.memory_space<hbm>> -> memref<80x128xf32, #tpu.memory_space<hbm>>
        %dma_wait3A_25 = arith.constant 0 : i32
        %dma_wait3A_26 = tpu.memref_slice %arg4[%add3A_14, %dma_wait3A_25] : memref<320000x128xf32, #tpu.memory_space<hbm>> -> memref<80x128xf32, #tpu.memory_space<hbm>>
        tpu.wait_dma2 semaphore(%run_scoped3A : memref<!tpu.dma_semaphore, #tpu.memory_space<semaphore_mem>>) src(%arg6 : memref<80x128xf32, #tpu.memory_space<vmem>>) dst(%dma_wait3A_26 : memref<80x128xf32, #tpu.memory_space<hbm>>)
        tpu.yield
      }) : () -> ()
    }
    %scan3A_6 = arith.constant 125 : i32
    return
  }
}

#map = affine_map<(d0, d1) -> (0, 0, 0)>
#map1 = affine_map<(d0, d1) -> (0)>
#map2 = affine_map<(d0, d1) -> (0, 0)>
module attributes {stable_mosaic.version = 14 : i64} {
  func.func @scatter_kernel(%arg0: i32, %arg1: i32, %arg2: memref<2x320000x128xf32, #tpu.memory_space<hbm>>, %arg3: memref<320000xi32, #tpu.memory_space<hbm>>, %arg4: memref<80x128xf32, #tpu.memory_space<hbm>>, %arg5: memref<2x10240x128xf32, #tpu.memory_space<hbm>>, %arg6: memref<80xi32, #tpu.memory_space<vmem>>, %arg7: memref<80x128xf32, #tpu.memory_space<vmem>>, %arg8: memref<10240x128xf32, #tpu.memory_space<vmem_shared>>) attributes {dimension_semantics = [#tpu.dimension_semantics<core_parallel>, #tpu.dimension_semantics<subcore_parallel>], iteration_bounds = array<i64: 2, 16>, scalar_prefetch = 0 : i64, scratch_operands = 3 : i64, tpu.core_type = #tpu.core_type<sc_vector_subcore>, window_params = [{transform_indices = #map}, {transform_indices = #map1}, {transform_indices = #map2}, {transform_indices = #map}]} {
    %mul3A = arith.constant 640 : i32
    %mul3A_0 = arith.muli %arg1, %mul3A : i32
    "tpu.region"() ({
      %run_scoped3A = tpu.sem_alloc : memref<!tpu.dma_semaphore, #tpu.memory_space<semaphore_mem>>
      tpu.enqueue_dma source(%arg4 : memref<80x128xf32, #tpu.memory_space<hbm>>) target(%arg7 : memref<80x128xf32, #tpu.memory_space<vmem>>) target_semaphore(%run_scoped3A : memref<!tpu.dma_semaphore, #tpu.memory_space<semaphore_mem>>)
      tpu.wait_dma2 semaphore(%run_scoped3A : memref<!tpu.dma_semaphore, #tpu.memory_space<semaphore_mem>>) src(%arg4 : memref<80x128xf32, #tpu.memory_space<hbm>>) dst(%arg7 : memref<80x128xf32, #tpu.memory_space<vmem>>)
      tpu.yield
    }) : () -> ()
    %scan3A = arith.constant 0 : i32
    %scan3A_1 = arith.constant 8 : i32
    %scan3A_2 = arith.addi %scan3A, %scan3A_1 : i32
    %scan3A_3 = arith.constant 1 : i32
    scf.for %scan3A_18 = %scan3A to %scan3A_2 step %scan3A_3  : i32 {
      %mul3A_19 = arith.constant 1 : i32
      %mul3A_20 = arith.muli %scan3A_18, %mul3A_19 : i32
      %add3A = arith.constant 0 : i32
      %add3A_21 = arith.addi %add3A, %mul3A_20 : i32
      %mul3A_22 = arith.constant 80 : i32
      %mul3A_23 = arith.muli %add3A_21, %mul3A_22 : i32
      %add3A_24 = arith.addi %mul3A_0, %mul3A_23 : i32
      "tpu.region"() ({
        %run_scoped3A = tpu.sem_alloc : memref<!tpu.dma_semaphore, #tpu.memory_space<semaphore_mem>>
        %dma_start3A = arith.constant 0 : i32
        %dma_start3A_25 = tpu.memref_slice %arg8[%add3A_24, %dma_start3A] : memref<10240x128xf32, #tpu.memory_space<vmem_shared>> -> memref<80x128xf32, #tpu.memory_space<vmem_shared>>
        %dma_start3A_26 = arith.constant 0 : i32
        %dma_start3A_27 = tpu.memref_slice %arg8[%add3A_24, %dma_start3A_26] : memref<10240x128xf32, #tpu.memory_space<vmem_shared>> -> memref<80x128xf32, #tpu.memory_space<vmem_shared>>
        tpu.enqueue_dma source(%arg7 : memref<80x128xf32, #tpu.memory_space<vmem>>) target(%dma_start3A_27 : memref<80x128xf32, #tpu.memory_space<vmem_shared>>) target_semaphore(%run_scoped3A : memref<!tpu.dma_semaphore, #tpu.memory_space<semaphore_mem>>)
        %dma_wait3A = arith.constant 0 : i32
        %dma_wait3A_28 = tpu.memref_slice %arg8[%add3A_24, %dma_wait3A] : memref<10240x128xf32, #tpu.memory_space<vmem_shared>> -> memref<80x128xf32, #tpu.memory_space<vmem_shared>>
        %dma_wait3A_29 = arith.constant 0 : i32
        %dma_wait3A_30 = tpu.memref_slice %arg8[%add3A_24, %dma_wait3A_29] : memref<10240x128xf32, #tpu.memory_space<vmem_shared>> -> memref<80x128xf32, #tpu.memory_space<vmem_shared>>
        tpu.wait_dma2 semaphore(%run_scoped3A : memref<!tpu.dma_semaphore, #tpu.memory_space<semaphore_mem>>) src(%arg7 : memref<80x128xf32, #tpu.memory_space<vmem>>) dst(%dma_wait3A_30 : memref<80x128xf32, #tpu.memory_space<vmem_shared>>)
        tpu.yield
      }) : () -> ()
    }
    %scan3A_4 = arith.constant 8 : i32
    %barrier3A = arith.constant 0 : index
    tpu.barrier barrier_id(%barrier3A)
    %mul3A_5 = arith.constant 20000 : i32
    %mul3A_6 = arith.muli %arg1, %mul3A_5 : i32
    %scan3A_7 = arith.constant 0 : i32
    %scan3A_8 = arith.constant 250 : i32
    %scan3A_9 = arith.addi %scan3A_7, %scan3A_8 : i32
    %scan3A_10 = arith.constant 1 : i32
    scf.for %scan3A_18 = %scan3A_7 to %scan3A_9 step %scan3A_10  : i32 {
      %mul3A_19 = arith.constant 1 : i32
      %mul3A_20 = arith.muli %scan3A_18, %mul3A_19 : i32
      %add3A = arith.constant 0 : i32
      %add3A_21 = arith.addi %add3A, %mul3A_20 : i32
      %mul3A_22 = arith.constant 80 : i32
      %mul3A_23 = arith.muli %add3A_21, %mul3A_22 : i32
      %add3A_24 = arith.addi %mul3A_6, %mul3A_23 : i32
      "tpu.region"() ({
        %run_scoped3A = tpu.sem_alloc : memref<!tpu.dma_semaphore, #tpu.memory_space<semaphore_mem>>
        %dma_start3A = tpu.memref_slice %arg3[%add3A_24] : memref<320000xi32, #tpu.memory_space<hbm>> -> memref<80xi32, #tpu.memory_space<hbm>>
        %dma_start3A_25 = tpu.memref_slice %arg3[%add3A_24] : memref<320000xi32, #tpu.memory_space<hbm>> -> memref<80xi32, #tpu.memory_space<hbm>>
        tpu.enqueue_dma source(%dma_start3A_25 : memref<80xi32, #tpu.memory_space<hbm>>) target(%arg6 : memref<80xi32, #tpu.memory_space<vmem>>) target_semaphore(%run_scoped3A : memref<!tpu.dma_semaphore, #tpu.memory_space<semaphore_mem>>)
        %dma_wait3A = tpu.memref_slice %arg3[%add3A_24] : memref<320000xi32, #tpu.memory_space<hbm>> -> memref<80xi32, #tpu.memory_space<hbm>>
        %dma_wait3A_26 = tpu.memref_slice %arg3[%add3A_24] : memref<320000xi32, #tpu.memory_space<hbm>> -> memref<80xi32, #tpu.memory_space<hbm>>
        tpu.wait_dma2 semaphore(%run_scoped3A : memref<!tpu.dma_semaphore, #tpu.memory_space<semaphore_mem>>) src(%dma_wait3A_26 : memref<80xi32, #tpu.memory_space<hbm>>) dst(%arg6 : memref<80xi32, #tpu.memory_space<vmem>>)
        tpu.yield
      }) : () -> ()
      "tpu.region"() ({
        %run_scoped3A = tpu.sem_alloc : memref<!tpu.dma_semaphore, #tpu.memory_space<semaphore_mem>>
        %dma_start3A = arith.constant 0 : i32
        %dma_start3A_25 = arith.constant 0 : i32
        %dma_start3A_26 = tpu.memref_slice %arg2[%arg0, %dma_start3A, %dma_start3A_25] : memref<2x320000x128xf32, #tpu.memory_space<hbm>> -> memref<1x320000x128xf32, #tpu.memory_space<hbm>>
        %dma_start3A_27 = tpu.memref_squeeze %dma_start3A_26 : memref<1x320000x128xf32, #tpu.memory_space<hbm>> -> memref<320000x128xf32, #tpu.memory_space<hbm>>
        %dma_start3A_28 = arith.constant 0 : i32
        %dma_start3A_29 = tpu.memref_slice %dma_start3A_27[%add3A_24, %dma_start3A_28] : memref<320000x128xf32, #tpu.memory_space<hbm>> -> memref<80x128xf32, #tpu.memory_space<hbm>>
        %dma_start3A_30 = arith.constant 0 : i32
        %dma_start3A_31 = arith.constant 0 : i32
        %dma_start3A_32 = tpu.memref_slice %arg2[%arg0, %dma_start3A_30, %dma_start3A_31] : memref<2x320000x128xf32, #tpu.memory_space<hbm>> -> memref<1x320000x128xf32, #tpu.memory_space<hbm>>
        %dma_start3A_33 = tpu.memref_squeeze %dma_start3A_32 : memref<1x320000x128xf32, #tpu.memory_space<hbm>> -> memref<320000x128xf32, #tpu.memory_space<hbm>>
        %dma_start3A_34 = arith.constant 0 : i32
        %dma_start3A_35 = tpu.memref_slice %dma_start3A_33[%add3A_24, %dma_start3A_34] : memref<320000x128xf32, #tpu.memory_space<hbm>> -> memref<80x128xf32, #tpu.memory_space<hbm>>
        tpu.enqueue_dma source(%dma_start3A_35 : memref<80x128xf32, #tpu.memory_space<hbm>>) target(%arg7 : memref<80x128xf32, #tpu.memory_space<vmem>>) target_semaphore(%run_scoped3A : memref<!tpu.dma_semaphore, #tpu.memory_space<semaphore_mem>>)
        %dma_wait3A = arith.constant 0 : i32
        %dma_wait3A_36 = arith.constant 0 : i32
        %dma_wait3A_37 = tpu.memref_slice %arg2[%arg0, %dma_wait3A, %dma_wait3A_36] : memref<2x320000x128xf32, #tpu.memory_space<hbm>> -> memref<1x320000x128xf32, #tpu.memory_space<hbm>>
        %dma_wait3A_38 = tpu.memref_squeeze %dma_wait3A_37 : memref<1x320000x128xf32, #tpu.memory_space<hbm>> -> memref<320000x128xf32, #tpu.memory_space<hbm>>
        %dma_wait3A_39 = arith.constant 0 : i32
        %dma_wait3A_40 = tpu.memref_slice %dma_wait3A_38[%add3A_24, %dma_wait3A_39] : memref<320000x128xf32, #tpu.memory_space<hbm>> -> memref<80x128xf32, #tpu.memory_space<hbm>>
        %dma_wait3A_41 = arith.constant 0 : i32
        %dma_wait3A_42 = arith.constant 0 : i32
        %dma_wait3A_43 = tpu.memref_slice %arg2[%arg0, %dma_wait3A_41, %dma_wait3A_42] : memref<2x320000x128xf32, #tpu.memory_space<hbm>> -> memref<1x320000x128xf32, #tpu.memory_space<hbm>>
        %dma_wait3A_44 = tpu.memref_squeeze %dma_wait3A_43 : memref<1x320000x128xf32, #tpu.memory_space<hbm>> -> memref<320000x128xf32, #tpu.memory_space<hbm>>
        %dma_wait3A_45 = arith.constant 0 : i32
        %dma_wait3A_46 = tpu.memref_slice %dma_wait3A_44[%add3A_24, %dma_wait3A_45] : memref<320000x128xf32, #tpu.memory_space<hbm>> -> memref<80x128xf32, #tpu.memory_space<hbm>>
        tpu.wait_dma2 semaphore(%run_scoped3A : memref<!tpu.dma_semaphore, #tpu.memory_space<semaphore_mem>>) src(%dma_wait3A_46 : memref<80x128xf32, #tpu.memory_space<hbm>>) dst(%arg7 : memref<80x128xf32, #tpu.memory_space<vmem>>)
        tpu.yield
      }) : () -> ()
      "tpu.region"() ({
        %run_scoped3A = tpu.sem_alloc : memref<!tpu.dma_semaphore, #tpu.memory_space<semaphore_mem>>
        %dma_start3A = arith.constant 0 : i32
        %dma_start3A_25 = arith.constant 0 : i32
        %dma_start3A_26 = tpu.memref_slice %arg8[%dma_start3A, %dma_start3A_25] : memref<10240x128xf32, #tpu.memory_space<vmem_shared>> -> memref<10240x128xf32, #tpu.memory_space<vmem_shared>>
        tpu.enqueue_indirect_dma source(%arg7 : memref<80x128xf32, #tpu.memory_space<vmem>>) target(%dma_start3A_26 : memref<10240x128xf32, #tpu.memory_space<vmem_shared>>) offsets(%arg6 : memref<80xi32, #tpu.memory_space<vmem>>) semaphore(%run_scoped3A : memref<!tpu.dma_semaphore, #tpu.memory_space<semaphore_mem>>) {add = true}
        %dma_wait3A = arith.constant 0 : i32
        %dma_wait3A_27 = arith.constant 0 : i32
        %dma_wait3A_28 = tpu.memref_slice %arg8[%dma_wait3A, %dma_wait3A_27] : memref<10240x128xf32, #tpu.memory_space<vmem_shared>> -> memref<10240x128xf32, #tpu.memory_space<vmem_shared>>
        tpu.wait_indirect_dma semaphore(%run_scoped3A : memref<!tpu.dma_semaphore, #tpu.memory_space<semaphore_mem>>) src(%arg7 : memref<80x128xf32, #tpu.memory_space<vmem>>) dst(%dma_wait3A_28 : memref<10240x128xf32, #tpu.memory_space<vmem_shared>>)
        tpu.yield
      }) : () -> ()
    }
    %scan3A_11 = arith.constant 250 : i32
    %barrier3A_12 = arith.constant 0 : index
    tpu.barrier barrier_id(%barrier3A_12)
    %scan3A_13 = arith.constant 0 : i32
    %scan3A_14 = arith.constant 8 : i32
    %scan3A_15 = arith.addi %scan3A_13, %scan3A_14 : i32
    %scan3A_16 = arith.constant 1 : i32
    scf.for %scan3A_18 = %scan3A_13 to %scan3A_15 step %scan3A_16  : i32 {
      %mul3A_19 = arith.constant 1 : i32
      %mul3A_20 = arith.muli %scan3A_18, %mul3A_19 : i32
      %add3A = arith.constant 0 : i32
      %add3A_21 = arith.addi %add3A, %mul3A_20 : i32
      %mul3A_22 = arith.constant 80 : i32
      %mul3A_23 = arith.muli %add3A_21, %mul3A_22 : i32
      %add3A_24 = arith.addi %mul3A_0, %mul3A_23 : i32
      "tpu.region"() ({
        %run_scoped3A = tpu.sem_alloc : memref<!tpu.dma_semaphore, #tpu.memory_space<semaphore_mem>>
        %dma_start3A = arith.constant 0 : i32
        %dma_start3A_28 = tpu.memref_slice %arg8[%add3A_24, %dma_start3A] : memref<10240x128xf32, #tpu.memory_space<vmem_shared>> -> memref<80x128xf32, #tpu.memory_space<vmem_shared>>
        %dma_start3A_29 = arith.constant 0 : i32
        %dma_start3A_30 = tpu.memref_slice %arg8[%add3A_24, %dma_start3A_29] : memref<10240x128xf32, #tpu.memory_space<vmem_shared>> -> memref<80x128xf32, #tpu.memory_space<vmem_shared>>
        tpu.enqueue_dma source(%dma_start3A_30 : memref<80x128xf32, #tpu.memory_space<vmem_shared>>) target(%arg7 : memref<80x128xf32, #tpu.memory_space<vmem>>) target_semaphore(%run_scoped3A : memref<!tpu.dma_semaphore, #tpu.memory_space<semaphore_mem>>)
        %dma_wait3A = arith.constant 0 : i32
        %dma_wait3A_31 = tpu.memref_slice %arg8[%add3A_24, %dma_wait3A] : memref<10240x128xf32, #tpu.memory_space<vmem_shared>> -> memref<80x128xf32, #tpu.memory_space<vmem_shared>>
        %dma_wait3A_32 = arith.constant 0 : i32
        %dma_wait3A_33 = tpu.memref_slice %arg8[%add3A_24, %dma_wait3A_32] : memref<10240x128xf32, #tpu.memory_space<vmem_shared>> -> memref<80x128xf32, #tpu.memory_space<vmem_shared>>
        tpu.wait_dma2 semaphore(%run_scoped3A : memref<!tpu.dma_semaphore, #tpu.memory_space<semaphore_mem>>) src(%dma_wait3A_33 : memref<80x128xf32, #tpu.memory_space<vmem_shared>>) dst(%arg7 : memref<80x128xf32, #tpu.memory_space<vmem>>)
        tpu.yield
      }) : () -> ()
      %mul3A_25 = arith.constant 80 : i32
      %mul3A_26 = arith.muli %add3A_21, %mul3A_25 : i32
      %add3A_27 = arith.addi %mul3A_0, %mul3A_26 : i32
      "tpu.region"() ({
        %run_scoped3A = tpu.sem_alloc : memref<!tpu.dma_semaphore, #tpu.memory_space<semaphore_mem>>
        %dma_start3A = arith.constant 0 : i32
        %dma_start3A_28 = arith.constant 0 : i32
        %dma_start3A_29 = tpu.memref_slice %arg5[%arg0, %dma_start3A, %dma_start3A_28] : memref<2x10240x128xf32, #tpu.memory_space<hbm>> -> memref<1x10240x128xf32, #tpu.memory_space<hbm>>
        %dma_start3A_30 = tpu.memref_squeeze %dma_start3A_29 : memref<1x10240x128xf32, #tpu.memory_space<hbm>> -> memref<10240x128xf32, #tpu.memory_space<hbm>>
        %dma_start3A_31 = arith.constant 0 : i32
        %dma_start3A_32 = tpu.memref_slice %dma_start3A_30[%add3A_27, %dma_start3A_31] : memref<10240x128xf32, #tpu.memory_space<hbm>> -> memref<80x128xf32, #tpu.memory_space<hbm>>
        %dma_start3A_33 = arith.constant 0 : i32
        %dma_start3A_34 = arith.constant 0 : i32
        %dma_start3A_35 = tpu.memref_slice %arg5[%arg0, %dma_start3A_33, %dma_start3A_34] : memref<2x10240x128xf32, #tpu.memory_space<hbm>> -> memref<1x10240x128xf32, #tpu.memory_space<hbm>>
        %dma_start3A_36 = tpu.memref_squeeze %dma_start3A_35 : memref<1x10240x128xf32, #tpu.memory_space<hbm>> -> memref<10240x128xf32, #tpu.memory_space<hbm>>
        %dma_start3A_37 = arith.constant 0 : i32
        %dma_start3A_38 = tpu.memref_slice %dma_start3A_36[%add3A_27, %dma_start3A_37] : memref<10240x128xf32, #tpu.memory_space<hbm>> -> memref<80x128xf32, #tpu.memory_space<hbm>>
        tpu.enqueue_dma source(%arg7 : memref<80x128xf32, #tpu.memory_space<vmem>>) target(%dma_start3A_38 : memref<80x128xf32, #tpu.memory_space<hbm>>) target_semaphore(%run_scoped3A : memref<!tpu.dma_semaphore, #tpu.memory_space<semaphore_mem>>)
        %dma_wait3A = arith.constant 0 : i32
        %dma_wait3A_39 = arith.constant 0 : i32
        %dma_wait3A_40 = tpu.memref_slice %arg5[%arg0, %dma_wait3A, %dma_wait3A_39] : memref<2x10240x128xf32, #tpu.memory_space<hbm>> -> memref<1x10240x128xf32, #tpu.memory_space<hbm>>
        %dma_wait3A_41 = tpu.memref_squeeze %dma_wait3A_40 : memref<1x10240x128xf32, #tpu.memory_space<hbm>> -> memref<10240x128xf32, #tpu.memory_space<hbm>>
        %dma_wait3A_42 = arith.constant 0 : i32
        %dma_wait3A_43 = tpu.memref_slice %dma_wait3A_41[%add3A_27, %dma_wait3A_42] : memref<10240x128xf32, #tpu.memory_space<hbm>> -> memref<80x128xf32, #tpu.memory_space<hbm>>
        %dma_wait3A_44 = arith.constant 0 : i32
        %dma_wait3A_45 = arith.constant 0 : i32
        %dma_wait3A_46 = tpu.memref_slice %arg5[%arg0, %dma_wait3A_44, %dma_wait3A_45] : memref<2x10240x128xf32, #tpu.memory_space<hbm>> -> memref<1x10240x128xf32, #tpu.memory_space<hbm>>
        %dma_wait3A_47 = tpu.memref_squeeze %dma_wait3A_46 : memref<1x10240x128xf32, #tpu.memory_space<hbm>> -> memref<10240x128xf32, #tpu.memory_space<hbm>>
        %dma_wait3A_48 = arith.constant 0 : i32
        %dma_wait3A_49 = tpu.memref_slice %dma_wait3A_47[%add3A_27, %dma_wait3A_48] : memref<10240x128xf32, #tpu.memory_space<hbm>> -> memref<80x128xf32, #tpu.memory_space<hbm>>
        tpu.wait_dma2 semaphore(%run_scoped3A : memref<!tpu.dma_semaphore, #tpu.memory_space<semaphore_mem>>) src(%arg7 : memref<80x128xf32, #tpu.memory_space<vmem>>) dst(%dma_wait3A_49 : memref<80x128xf32, #tpu.memory_space<hbm>>)
        tpu.yield
      }) : () -> ()
    }
    %scan3A_17 = arith.constant 8 : i32
    return
  }
}

module attributes {stable_mosaic.version = 14 : i64} {
  func.func @_permute_body(%arg0: i32, %arg1: memref<1000x128xf32, #tpu.memory_space<vmem>>, %arg2: memref<128x128xf32, #tpu.memory_space<vmem>>, %arg3: memref<1000x128xf32, #tpu.memory_space<vmem>>) attributes {dimension_semantics = [#tpu.dimension_semantics<arbitrary>], iteration_bounds = array<i64: 10>, scalar_prefetch = 0 : i64, scratch_operands = 0 : i64, tpu.core_type = #tpu.core_type<tc>, window_params = [{transform_indices = @transform_0, window_bounds = array<i64: 1000, 128>}, {pipeline_mode = #tpu.pipeline_mode<synchronous>, transform_indices = @transform_1, window_bounds = array<i64: 128, 128>}, {transform_indices = @transform_2, window_bounds = array<i64: 1000, 128>}]} {
    %get3A = arith.constant 0 : index
    %get3A_0 = arith.constant 0 : index
    %get3A_1 = vector.load %arg1[%get3A, %get3A_0] : memref<1000x128xf32, #tpu.memory_space<vmem>>, vector<1000x128xf32>
    %get3A_2 = arith.constant 0 : index
    %get3A_3 = arith.constant 0 : index
    %get3A_4 = vector.load %arg2[%get3A_2, %get3A_3] : memref<128x128xf32, #tpu.memory_space<vmem>>, vector<128x128xf32>
    %dot_general3A = arith.constant dense<0.000000e+00> : vector<1000x128xf32>
    %dot_general3A_5 = tpu.matmul %get3A_1, %get3A_4, %dot_general3A {dimension_numbers = #tpu.dot_dimension_numbers<[1], [0], [0], [1], [0, 0, 1, 1], [], []>, transpose_lhs_hint = false} : vector<1000x128xf32>, vector<128x128xf32>, vector<1000x128xf32> -> vector<1000x128xf32>
    %swap3A = arith.constant 0 : index
    %swap3A_6 = arith.constant 0 : index
    %swap3A_7 = vector.load %arg3[%swap3A, %swap3A_6] : memref<1000x128xf32, #tpu.memory_space<vmem>>, vector<1000x128xf32>
    tpu.vector_store %arg3[%swap3A, %swap3A_6], %dot_general3A_5 {strides = array<i32>} : memref<1000x128xf32, #tpu.memory_space<vmem>>, vector<1000x128xf32>,
    return
  }
  func.func @transform_0(%arg0: i32) -> (i32, i32) {
    %c0_i32 = arith.constant 0 : i32
    %c0_i32_0 = arith.constant 0 : i32
    return %arg0, %c0_i32 : i32, i32
  }
  func.func @transform_1(%arg0: i32) -> (i32, i32) {
    %c0_i32 = arith.constant 0 : i32
    %c0_i32_0 = arith.constant 0 : i32
    %c0_i32_1 = arith.constant 0 : i32
    return %c0_i32, %c0_i32_0 : i32, i32
  }
  func.func @transform_2(%arg0: i32) -> (i32, i32) {
    %c0_i32 = arith.constant 0 : i32
    %c0_i32_0 = arith.constant 0 : i32
    return %arg0, %c0_i32 : i32, i32
  }
}

module attributes {stable_mosaic.version = 14 : i64} {
  func.func @_msg_body(%arg0: i32, %arg1: memref<512x128xf32, #tpu.memory_space<vmem>>, %arg2: memref<512x4xf32, #tpu.memory_space<vmem>>, %arg3: memref<1x64xf32, #tpu.memory_space<vmem>>, %arg4: memref<64x64xf32, #tpu.memory_space<vmem>>, %arg5: memref<64x128xf32, #tpu.memory_space<vmem>>, %arg6: memref<2x512x128xf32, #tpu.memory_space<vmem>>) attributes {dimension_semantics = [#tpu.dimension_semantics<arbitrary>], iteration_bounds = array<i64: 625>, scalar_prefetch = 0 : i64, scratch_operands = 0 : i64, tpu.core_type = #tpu.core_type<tc>, window_params = [{transform_indices = @transform_0, window_bounds = array<i64: 512, 128>}, {transform_indices = @transform_1, window_bounds = array<i64: 512, 4>}, {pipeline_mode = #tpu.pipeline_mode<synchronous>, transform_indices = @transform_2, window_bounds = array<i64: 1, 64>}, {pipeline_mode = #tpu.pipeline_mode<synchronous>, transform_indices = @transform_3, window_bounds = array<i64: 64, 64>}, {pipeline_mode = #tpu.pipeline_mode<synchronous>, transform_indices = @transform_4, window_bounds = array<i64: 64, 128>}, {transform_indices = @transform_5, window_bounds = array<i64: 2, 512, 128>}]} {
    %get3A = arith.constant 0 : index
    %get3A_0 = arith.constant 0 : index
    %get3A_1 = vector.load %arg1[%get3A, %get3A_0] : memref<512x128xf32, #tpu.memory_space<vmem>>, vector<512x128xf32>
    %get3A_2 = arith.constant 0 : index
    %get3A_3 = arith.constant 0 : index
    %get3A_4 = vector.load %arg2[%get3A_2, %get3A_3] : memref<512x4xf32, #tpu.memory_space<vmem>>, vector<512x4xf32>
    %slice3A = vector.extract_strided_slice %get3A_4 {offsets = [0, 0], sizes = [512, 1], strides = [1, 1]} : vector<512x4xf32> to vector<512x1xf32>
    %get3A_5 = arith.constant 0 : index
    %get3A_6 = arith.constant 0 : index
    %get3A_7 = vector.load %arg3[%get3A_5, %get3A_6] : memref<1x64xf32, #tpu.memory_space<vmem>>, vector<1x64xf32>
    %mul3A = vector.broadcast %slice3A : vector<512x1xf32> to vector<512x64xf32>
    %mul3A_8 = vector.broadcast %get3A_7 : vector<1x64xf32> to vector<512x64xf32>
    %mul3A_9 = arith.mulf %mul3A, %mul3A_8 : vector<512x64xf32>
    %logistic3A = arith.negf %mul3A_9 : vector<512x64xf32>
    %logistic3A_10 = math.exp %logistic3A : vector<512x64xf32>
    %logistic3A_11 = arith.constant 1.000000e+00 : f32
    %logistic3A_12 = vector.broadcast %logistic3A_11 : f32 to vector<512x64xf32>
    %logistic3A_13 = arith.addf %logistic3A_12, %logistic3A_10 : vector<512x64xf32>
    %logistic3A_14 = arith.divf %logistic3A_12, %logistic3A_13 : vector<512x64xf32>
    %mul3A_15 = arith.mulf %mul3A_9, %logistic3A_14 : vector<512x64xf32>
    %get3A_16 = arith.constant 0 : index
    %get3A_17 = arith.constant 0 : index
    %get3A_18 = vector.load %arg4[%get3A_16, %get3A_17] : memref<64x64xf32, #tpu.memory_space<vmem>>, vector<64x64xf32>
    %dot_general3A = arith.constant dense<0.000000e+00> : vector<512x64xf32>
    %dot_general3A_19 = tpu.matmul %mul3A_15, %get3A_18, %dot_general3A {dimension_numbers = #tpu.dot_dimension_numbers<[1], [0], [0], [1], [0, 0, 1, 1], [], []>, transpose_lhs_hint = false} : vector<512x64xf32>, vector<64x64xf32>, vector<512x64xf32> -> vector<512x64xf32>
    %logistic3A_20 = arith.negf %dot_general3A_19 : vector<512x64xf32>
    %logistic3A_21 = math.exp %logistic3A_20 : vector<512x64xf32>
    %logistic3A_22 = arith.constant 1.000000e+00 : f32
    %logistic3A_23 = vector.broadcast %logistic3A_22 : f32 to vector<512x64xf32>
    %logistic3A_24 = arith.addf %logistic3A_23, %logistic3A_21 : vector<512x64xf32>
    %logistic3A_25 = arith.divf %logistic3A_23, %logistic3A_24 : vector<512x64xf32>
    %mul3A_26 = arith.mulf %dot_general3A_19, %logistic3A_25 : vector<512x64xf32>
    %get3A_27 = arith.constant 0 : index
    %get3A_28 = arith.constant 0 : index
    %get3A_29 = vector.load %arg5[%get3A_27, %get3A_28] : memref<64x128xf32, #tpu.memory_space<vmem>>, vector<64x128xf32>
    %dot_general3A_30 = arith.constant dense<0.000000e+00> : vector<512x128xf32>
    %dot_general3A_31 = tpu.matmul %mul3A_26, %get3A_29, %dot_general3A_30 {dimension_numbers = #tpu.dot_dimension_numbers<[1], [0], [0], [1], [0, 0, 1, 1], [], []>, transpose_lhs_hint = false} : vector<512x64xf32>, vector<64x128xf32>, vector<512x128xf32> -> vector<512x128xf32>
    %slice3A_32 = vector.extract_strided_slice %get3A_1 {offsets = [0, 0], sizes = [512, 32], strides = [1, 1]} : vector<512x128xf32> to vector<512x32xf32>
    %slice3A_33 = vector.extract_strided_slice %get3A_1 {offsets = [0, 32], sizes = [512, 32], strides = [1, 1]} : vector<512x128xf32> to vector<512x32xf32>
    %slice3A_34 = vector.extract_strided_slice %get3A_1 {offsets = [0, 64], sizes = [512, 32], strides = [1, 1]} : vector<512x128xf32> to vector<512x32xf32>
    %slice3A_35 = vector.extract_strided_slice %get3A_1 {offsets = [0, 96], sizes = [512, 32], strides = [1, 1]} : vector<512x128xf32> to vector<512x32xf32>
    %slice3A_36 = vector.extract_strided_slice %get3A_4 {offsets = [0, 1], sizes = [512, 1], strides = [1, 1]} : vector<512x4xf32> to vector<512x1xf32>
    %slice3A_37 = vector.extract_strided_slice %get3A_4 {offsets = [0, 2], sizes = [512, 1], strides = [1, 1]} : vector<512x4xf32> to vector<512x1xf32>
    %slice3A_38 = vector.extract_strided_slice %get3A_4 {offsets = [0, 3], sizes = [512, 1], strides = [1, 1]} : vector<512x4xf32> to vector<512x1xf32>
    %mul3A_39 = vector.broadcast %slice3A_36 : vector<512x1xf32> to vector<512x32xf32>
    %mul3A_40 = arith.mulf %slice3A_33, %mul3A_39 : vector<512x32xf32>
    %mul3A_41 = vector.broadcast %slice3A_37 : vector<512x1xf32> to vector<512x32xf32>
    %mul3A_42 = arith.mulf %slice3A_34, %mul3A_41 : vector<512x32xf32>
    %add3A = arith.addf %mul3A_40, %mul3A_42 : vector<512x32xf32>
    %mul3A_43 = vector.broadcast %slice3A_38 : vector<512x1xf32> to vector<512x32xf32>
    %mul3A_44 = arith.mulf %slice3A_35, %mul3A_43 : vector<512x32xf32>
    %add3A_45 = arith.addf %add3A, %mul3A_44 : vector<512x32xf32>
    %mul3A_46 = arith.constant 0.577350259 : f32
    %mul3A_47 = vector.broadcast %mul3A_46 : f32 to vector<512x32xf32>
    %mul3A_48 = arith.mulf %add3A_45, %mul3A_47 : vector<512x32xf32>
    %slice3A_49 = vector.extract_strided_slice %dot_general3A_31 {offsets = [0, 0], sizes = [512, 32], strides = [1, 1]} : vector<512x128xf32> to vector<512x32xf32>
    %slice3A_50 = vector.extract_strided_slice %dot_general3A_31 {offsets = [0, 32], sizes = [512, 32], strides = [1, 1]} : vector<512x128xf32> to vector<512x32xf32>
    %slice3A_51 = vector.extract_strided_slice %dot_general3A_31 {offsets = [0, 64], sizes = [512, 32], strides = [1, 1]} : vector<512x128xf32> to vector<512x32xf32>
    %slice3A_52 = vector.extract_strided_slice %dot_general3A_31 {offsets = [0, 96], sizes = [512, 32], strides = [1, 1]} : vector<512x128xf32> to vector<512x32xf32>
    %mul3A_53 = arith.mulf %slice3A_32, %slice3A_52 : vector<512x32xf32>
    %mul3A_54 = arith.mulf %slice3A_32, %slice3A_49 : vector<512x32xf32>
    %mul3A_55 = arith.mulf %mul3A_48, %slice3A_50 : vector<512x32xf32>
    %mul3A_56 = arith.mulf %slice3A_33, %slice3A_51 : vector<512x32xf32>
    %mul3A_57 = vector.broadcast %slice3A_36 : vector<512x1xf32> to vector<512x32xf32>
    %mul3A_58 = arith.mulf %mul3A_53, %mul3A_57 : vector<512x32xf32>
    %concatenate3A = tpu.concatenate %mul3A_54, %mul3A_55, %mul3A_56, %mul3A_58 in 1 : vector<512x32xf32>, vector<512x32xf32>, vector<512x32xf32>, vector<512x32xf32> -> vector<512x128xf32>
    %mul3A_59 = arith.mulf %slice3A_34, %slice3A_51 : vector<512x32xf32>
    %mul3A_60 = vector.broadcast %slice3A_37 : vector<512x1xf32> to vector<512x32xf32>
    %mul3A_61 = arith.mulf %mul3A_53, %mul3A_60 : vector<512x32xf32>
    %mul3A_62 = arith.mulf %slice3A_35, %slice3A_51 : vector<512x32xf32>
    %mul3A_63 = vector.broadcast %slice3A_38 : vector<512x1xf32> to vector<512x32xf32>
    %mul3A_64 = arith.mulf %mul3A_53, %mul3A_63 : vector<512x32xf32>
    %concatenate3A_65 = tpu.concatenate %mul3A_59, %mul3A_61, %mul3A_62, %mul3A_64 in 1 : vector<512x32xf32>, vector<512x32xf32>, vector<512x32xf32>, vector<512x32xf32> -> vector<512x128xf32>
    %swap3A = arith.constant 0 : index
    %swap3A_66 = arith.constant 0 : index
    %swap3A_67 = arith.constant 0 : index
    %swap3A_68 = vector.load %arg6[%swap3A, %swap3A_66, %swap3A_67] : memref<2x512x128xf32, #tpu.memory_space<vmem>>, vector<1x512x128xf32>
    %swap3A_69 = vector.shape_cast %swap3A_68 : vector<1x512x128xf32> to vector<512x128xf32>
    %swap3A_70 = vector.shape_cast %concatenate3A : vector<512x128xf32> to vector<1x512x128xf32>
    tpu.vector_store %arg6[%swap3A, %swap3A_66, %swap3A_67], %swap3A_70 {strides = array<i32>} : memref<2x512x128xf32, #tpu.memory_space<vmem>>, vector<1x512x128xf32>,
    %swap3A_71 = arith.constant 1 : index
    %swap3A_72 = arith.constant 0 : index
    %swap3A_73 = arith.constant 0 : index
    %swap3A_74 = vector.load %arg6[%swap3A_71, %swap3A_72, %swap3A_73] : memref<2x512x128xf32, #tpu.memory_space<vmem>>, vector<1x512x128xf32>
    %swap3A_75 = vector.shape_cast %swap3A_74 : vector<1x512x128xf32> to vector<512x128xf32>
    %swap3A_76 = vector.shape_cast %concatenate3A_65 : vector<512x128xf32> to vector<1x512x128xf32>
    tpu.vector_store %arg6[%swap3A_71, %swap3A_72, %swap3A_73], %swap3A_76 {strides = array<i32>} : memref<2x512x128xf32, #tpu.memory_space<vmem>>, vector<1x512x128xf32>,
    return
  }
  func.func @transform_0(%arg0: i32) -> (i32, i32) {
    %c0_i32 = arith.constant 0 : i32
    %c0_i32_0 = arith.constant 0 : i32
    return %arg0, %c0_i32 : i32, i32
  }
  func.func @transform_1(%arg0: i32) -> (i32, i32) {
    %c0_i32 = arith.constant 0 : i32
    %c0_i32_0 = arith.constant 0 : i32
    return %arg0, %c0_i32 : i32, i32
  }
  func.func @transform_2(%arg0: i32) -> (i32, i32) {
    %c0_i32 = arith.constant 0 : i32
    %c0_i32_0 = arith.constant 0 : i32
    %c0_i32_1 = arith.constant 0 : i32
    return %c0_i32, %c0_i32_0 : i32, i32
  }
  func.func @transform_3(%arg0: i32) -> (i32, i32) {
    %c0_i32 = arith.constant 0 : i32
    %c0_i32_0 = arith.constant 0 : i32
    %c0_i32_1 = arith.constant 0 : i32
    return %c0_i32, %c0_i32_0 : i32, i32
  }
  func.func @transform_4(%arg0: i32) -> (i32, i32) {
    %c0_i32 = arith.constant 0 : i32
    %c0_i32_0 = arith.constant 0 : i32
    %c0_i32_1 = arith.constant 0 : i32
    return %c0_i32, %c0_i32_0 : i32, i32
  }
  func.func @transform_5(%arg0: i32) -> (i32, i32, i32) {
    %c0_i32 = arith.constant 0 : i32
    %c0_i32_0 = arith.constant 0 : i32
    %c0_i32_1 = arith.constant 0 : i32
    return %c0_i32, %arg0, %c0_i32_0 : i32, i32, i32
  }
}

module attributes {stable_mosaic.version = 14 : i64} {
  func.func @_unpermute_body(%arg0: i32, %arg1: memref<2x1000x128xf32, #tpu.memory_space<vmem>>, %arg2: memref<256x256xf32, #tpu.memory_space<vmem>>, %arg3: memref<1000x256xf32, #tpu.memory_space<vmem>>) attributes {dimension_semantics = [#tpu.dimension_semantics<arbitrary>], iteration_bounds = array<i64: 10>, scalar_prefetch = 0 : i64, scratch_operands = 0 : i64, tpu.core_type = #tpu.core_type<tc>, window_params = [{transform_indices = @transform_0, window_bounds = array<i64: 2, 1000, 128>}, {pipeline_mode = #tpu.pipeline_mode<synchronous>, transform_indices = @transform_1, window_bounds = array<i64: 256, 256>}, {transform_indices = @transform_2, window_bounds = array<i64: 1000, 256>}]} {
    %get3A = arith.constant 0 : index
    %get3A_0 = arith.constant 0 : index
    %get3A_1 = arith.constant 0 : index
    %get3A_2 = vector.load %arg1[%get3A, %get3A_0, %get3A_1] : memref<2x1000x128xf32, #tpu.memory_space<vmem>>, vector<1x1000x128xf32>
    %get3A_3 = vector.shape_cast %get3A_2 : vector<1x1000x128xf32> to vector<1000x128xf32>
    %get3A_4 = arith.constant 1 : index
    %get3A_5 = arith.constant 0 : index
    %get3A_6 = arith.constant 0 : index
    %get3A_7 = vector.load %arg1[%get3A_4, %get3A_5, %get3A_6] : memref<2x1000x128xf32, #tpu.memory_space<vmem>>, vector<1x1000x128xf32>
    %get3A_8 = vector.shape_cast %get3A_7 : vector<1x1000x128xf32> to vector<1000x128xf32>
    %concatenate3A = tpu.concatenate %get3A_3, %get3A_8 in 1 : vector<1000x128xf32>, vector<1000x128xf32> -> vector<1000x256xf32>
    %get3A_9 = arith.constant 0 : index
    %get3A_10 = arith.constant 0 : index
    %get3A_11 = vector.load %arg2[%get3A_9, %get3A_10] : memref<256x256xf32, #tpu.memory_space<vmem>>, vector<256x256xf32>
    %dot_general3A = arith.constant dense<0.000000e+00> : vector<1000x256xf32>
    %dot_general3A_12 = tpu.matmul %concatenate3A, %get3A_11, %dot_general3A {dimension_numbers = #tpu.dot_dimension_numbers<[1], [0], [0], [1], [0, 0, 1, 1], [], []>, transpose_lhs_hint = false} : vector<1000x256xf32>, vector<256x256xf32>, vector<1000x256xf32> -> vector<1000x256xf32>
    %swap3A = arith.constant 0 : index
    %swap3A_13 = arith.constant 0 : index
    %swap3A_14 = vector.load %arg3[%swap3A, %swap3A_13] : memref<1000x256xf32, #tpu.memory_space<vmem>>, vector<1000x256xf32>
    tpu.vector_store %arg3[%swap3A, %swap3A_13], %dot_general3A_12 {strides = array<i32>} : memref<1000x256xf32, #tpu.memory_space<vmem>>, vector<1000x256xf32>,
    return
  }
  func.func @transform_0(%arg0: i32) -> (i32, i32, i32) {
    %c0_i32 = arith.constant 0 : i32
    %c0_i32_0 = arith.constant 0 : i32
    %c0_i32_1 = arith.constant 0 : i32
    return %c0_i32, %arg0, %c0_i32_0 : i32, i32, i32
  }
  func.func @transform_1(%arg0: i32) -> (i32, i32) {
    %c0_i32 = arith.constant 0 : i32
    %c0_i32_0 = arith.constant 0 : i32
    %c0_i32_1 = arith.constant 0 : i32
    return %c0_i32, %c0_i32_0 : i32, i32
  }
  func.func @transform_2(%arg0: i32) -> (i32, i32) {
    %c0_i32 = arith.constant 0 : i32
    %c0_i32_0 = arith.constant 0 : i32
    return %arg0, %c0_i32 : i32, i32
  }
}

</mosaic_0001>

<sc_bundles>
// kernel: kernel.10.cloned.1.call-start
scs
__scs_entry_jumppad:
0x0: {  	(pc) =	sbr.rel $0x88, $3  }
0x1: {  	(tag) =	ssettag $0x0;
	lr =	simm.s32 $0x1  }
0x2: {  	[smem:$0x3F9A] =	sst lr;
	_ =	strace $0xD0000000  }
0x3: {  	_ = 	snop  }
0x4: {  	_ = 	snop  }
0x5: {  	_ = 	snop  }
0x6: {  	_ = 	snop  }
0x7: {  	_ = 	snop  }
__scs_overlays_trampoline_lowered:
0x8: {  	[smem:$0x3FA9] =	sst s0  }
0x9: {  	[smem:$0x3FAA] =	sst s1  }
0xa: {  	[smem:$0x3FAB] =	sst s2  }
0xb: {  	[smem:$0x3FAC] =	sst s3  }
0xc: {  	[smem:$0x3FAD] =	sst s4  }
0xd: {  	[smem:$0x3FAE] =	sst s5  }
0xe: {  	[smem:$0x3FAF] =	sst s6  }
0xf: {  	[smem:$0x3FB0] =	sst s7  }
0x10: {  	[smem:$0x3FB1] =	sst s8  }
0x11: {  	[smem:$0x3FB2] =	sst s9;
	s0 =	simm.s32 @!p0 $0x0  }
0x12: {  	s1 =	sld [smem:$0x3F98];
	s0 =	simm.s32 @p0 $0x1  }
0x13: {  	[smem:$0x3FB3] =	sst s0;
	s0 =	simm.s32 @!p1 $0x0  }
0x14: {  	s2 =	sld [smem:$0x3F97];
	s0 =	simm.s32 @p1 $0x1  }
0x15: {  	[smem:$0x3FB4] =	sst s0;
	s0 =	simm.s32 @!p2 $0x0  }
0x16: {  	s3 =	sld [smem:$0x3FDB];
	s0 =	simm.s32 @p2 $0x1  }
0x17: {  	s4 =	simm.s32 $0x1BF5;
	[smem:$0x3FB6] =	sst s0  }
0x18: {  	s0 =	sld [smem:$0x3F99];
	_ =	swait.ge [sflag:s4], $0x0  }
0x19: {  	s7 =	sld [smem:$0x3F9A]  }
0x1a: {  	s8 =	sadd.s32 $0xFFFFE003, lr  }
0x1b: {  	s9 =	sadd.s32 $0xFFFFFEF7, lr;
	s5 =	simm.s32 $0xFFFFFFFF;
	p2 =	slt.u32 s8, $0xFFFFF086  }
0x1c: {  	p1 =	slt.u32 s9, $0xF7A;
	s5 =	simm.s32 @!p2 $0x0  }
0x1d: {  	s5 =	simm.s32 @p1 $0x1;
	p0 =	seq.s32 s7, s2  }
0x1e: {  	s7 =	smul.u32 @!p0 $0xF7A, s2;
	p2 =	seq.s32 @!p0 s5, $0x0  }
0x1f: {  	s9 =	smul.u32 $0xF7A, s1;
	s8 =	simm.s32 @!p0 $0x1BF5;
	p2 =	por !p2, p0  }
0x20: {  	[sflag:s8] =	ssyncset.s32 @!p0 $0xFFFFF086;
	s6 =	sadd.s32 @!p0 s3, s7;
	s7 =	simm.s32 @!p0 $0x108  }
0x21: {  	s3 =	sadd.s32 s3, s9;
	s6 =	sadd.s32 @!p0 $0x88, s6;
	s7 =	simm.s32 @p2 $0x1082  }
0x22: {  	[simem:s7], [sflag:s8] =	dma.local @!p0 [hbm:s6], $0xF7A  }
0x23: {  	s9 =	sor.u32 $0xD0000000, s2;
	s6 =	simm.s32 $0x108;
	_ =	swait.ge @!p0 [sflag:s8], $0x0  }
0x24: {  	s3 =	sadd.s32 $0x88, s3;
	s6 =	simm.s32 @!p1 $0x1082;
	[sflag:s4] =	ssyncset.s32 $0xFFFFF086  }
0x25: {  	[simem:s6], [sflag:s4] =	dma.local [hbm:s3], $0xF7A  }
0x26: {  	[smem:$0x3F9A] =	sst s1;
	(tag) =	ssettag s2;
	_ =	strace s9  }
0x27: {  	s1 =	sld [smem:$0x3FAA]  }
0x28: {  	s2 =	sld [smem:$0x3FAB]  }
0x29: {  	s4 =	sld [smem:$0x3FAD]  }
0x2a: {  	p0 =	seq.s32 s5, $0x0;
	s5 =	sld [smem:$0x3FAE]  }
0x2b: {  	s6 =	sld [smem:$0x3FAF]  }
0x2c: {  	s7 =	sld [smem:$0x3FB0]  }
0x2d: {  	s3 =	simm.s32 $0x108;
	s8 =	sld [smem:$0x3FB1]  }
0x2e: {  	s3 =	simm.s32 @!p0 $0x1082;
	s9 =	sld [smem:$0x3FB2]  }
0x2f: {  	lr =	sadd.s32 s0, s3;
	s0 =	sld [smem:$0x3FA9]  }
0x30: {  	s3 =	sld [smem:$0x3FAC]  }
0x31: {  	[smem:$0x3FB5] =	sst s10  }
0x32: {  	s10 =	sld [smem:$0x3FB3];
	_ =	sdelay $0x3  }
0x33: {  	p0 =	seq.s32 s10, $0x1;
	s10 =	sld [smem:$0x3FB5];
	_ =	sdelay $0x3  }
0x34: {  	[smem:$0x3FB5] =	sst s10  }
0x35: {  	s10 =	sld [smem:$0x3FB4];
	_ =	sdelay $0x3  }
0x36: {  	p1 =	seq.s32 s10, $0x1;
	s10 =	sld [smem:$0x3FB5];
	_ =	sdelay $0x3  }
0x37: {  	[smem:$0x3FB5] =	sst s10  }
0x38: {  	s10 =	sld [smem:$0x3FB6]  }
0x39: {  	_ = 	snop;
	(pc) =	sbr.ind lr, $3  }
0x3a: {  	_ = 	snop  }
0x3b: {  	_ = 	snop  }
0x3c: {  	p2 =	seq.s32 s10, $0x1;
	s10 =	sld [smem:$0x3FB5]  }
0x3d: {  	_ =	shalt  }
0x3e: {  	_ =	shalt  }
0x3f: {  	_ =	shalt  }
0x40: {  	_ =	shalt  }
0x41: {  	_ =	shalt  }
0x42: {  	_ =	shalt  }
0x43: {  	_ =	shalt  }
0x44: {  	_ =	shalt  }
0x45: {  	_ =	shalt  }
0x46: {  	_ =	shalt  }
0x47: {  	_ =	shalt  }
0x48: {  	_ =	shalt  }
0x49: {  	_ =	shalt  }
0x4a: {  	_ =	shalt  }
0x4b: {  	_ =	shalt  }
0x4c: {  	_ =	shalt  }
0x4d: {  	_ =	shalt  }
0x4e: {  	_ =	shalt  }
0x4f: {  	_ =	shalt  }
0x50: {  	_ =	shalt  }
0x51: {  	_ =	shalt  }
0x52: {  	_ =	shalt  }
0x53: {  	_ =	shalt  }
0x54: {  	_ =	shalt  }
0x55: {  	_ =	shalt  }
0x56: {  	_ =	shalt  }
0x57: {  	_ =	shalt  }
0x58: {  	_ =	shalt  }
0x59: {  	_ =	shalt  }
0x5a: {  	_ =	shalt  }
0x5b: {  	_ =	shalt  }
0x5c: {  	_ =	shalt  }
0x5d: {  	_ =	shalt  }
0x5e: {  	_ =	shalt  }
0x5f: {  	_ =	shalt  }
0x60: {  	_ =	shalt  }
0x61: {  	_ =	shalt  }
0x62: {  	_ =	shalt  }
0x63: {  	_ =	shalt  }
0x64: {  	_ =	shalt  }
0x65: {  	_ =	shalt  }
0x66: {  	_ =	shalt  }
0x67: {  	_ =	shalt  }
0x68: {  	_ =	shalt  }
0x69: {  	_ =	shalt  }
0x6a: {  	_ =	shalt  }
0x6b: {  	_ =	shalt  }
0x6c: {  	_ =	shalt  }
0x6d: {  	_ =	shalt  }
0x6e: {  	_ =	shalt  }
0x6f: {  	_ =	shalt  }
0x70: {  	_ =	shalt  }
0x71: {  	_ =	shalt  }
0x72: {  	_ =	shalt  }
0x73: {  	_ =	shalt  }
0x74: {  	_ =	shalt  }
0x75: {  	_ =	shalt  }
0x76: {  	_ =	shalt  }
0x77: {  	_ =	shalt  }
0x78: {  	_ =	shalt  }
0x79: {  	_ =	shalt  }
0x7a: {  	_ =	shalt  }
0x7b: {  	_ =	shalt  }
0x7c: {  	_ =	shalt  }
0x7d: {  	_ =	shalt  }
0x7e: {  	_ =	shalt  }
0x7f: {  	_ =	shalt  }
0x80: {  	_ =	shalt  }
0x81: {  	_ =	shalt  }
0x82: {  	_ =	shalt  }
0x83: {  	_ =	shalt  }
0x84: {  	_ =	shalt  }
0x85: {  	_ =	shalt  }
0x86: {  	_ =	shalt  }
0x87: {  	_ =	shalt  }
.Lfunc_end0:
.L_simem_size_0:
called_computation.1_lowered:
.L_overlay_start_0:
0x88: {  	s2 =	sld [smem:$0x3FD9]  }
0x89: {  	s3 =	sld [smem:$0x3FFE];
	_ =	sdelay $0x1  }
0x8a: {  	s1 =	srdreg.scid  }
0x8b: {  	s0 =	sand.u32 $0x1, s1  }
0x8c: {  	s17 =	sshll.u32 s0, $0xA;
	s2 =	sadd.s32 s3, s2  }
0x8d: {  	s2 =	sadd.s32 s2, s17  }
0x8e: {  	[smem:$0x3FC1] =	sst s2  }
0x8f: {  	_ = 	snop  }
0x90: {  	s2 =	sld [smem:$0x3FC6]  }
0x91: {  	s18 =	sld [smem:$0x3FD0];
	(tm) =	ssettm $0x1  }
0x92: {  	s4 =	sld [smem:$0x3FFB];
	_ =	sdelay $0x3  }
0x93: {  	_ =	strace s4  }
0x94: {  	s4 =	sld [smem:$0x3FFC];
	_ =	sdelay $0x3  }
0x95: {  	_ =	strace s4  }
0x96: {  	s4 =	sld [smem:$0x3FFD];
	_ =	sdelay $0x3  }
0x97: {  	_ =	strace s4  }
0x98: {  	_ =	strace $0x8FFFFFFF  }
0x99: {  	s19 =	sld [smem:$0x3FDB];
	_ =	sdelay $0x1  }
0x9a: {  	s5 =	simm.s32 $_scs_section_size  }
0x9b: {  	s6 =	simm.s32 $_size__tile_overlayer_lowered;
	s7 =	simm.s32 $_tile_overlayer_lowered  }
0x9c: {  	s22 =	simm.s32 $0x1BFF;
	s21 =	sshll.u32 s7, $0x1;
	s4 =	sadd.s32 s5, s19  }
0x9d: {  	s8 =	simm.s32 $0x0;
	s20 =	sshll.u32 s6, $0x1;
	s6 =	sadd.s32 s21, s4  }
0x9e: {  	[timem:s8], [sflag:s22] =	dma.local [hbm:s6], s20  }
0x9f: {  	_ =	swait.ge [sflag:s22], s20  }
0xa0: {  	s5 =	ssub.s32 $0x0, s20;
	[sflag:s22] =	ssyncset.done $0x0  }
0xa1: {  	[sflag:s22] =	ssyncadd.s32 s5;
	_ =	sdelay $0x1  }
0xa2: {  	s23 =	simm.s32 $0x1B8B  }
0xa3: {  	_ =	swait.ge [sflag:s23], $0x1  }
0xa4: {  	[sflag:s23] =	ssyncset.done $0x0  }
0xa5: {  	s25 =	simm.s32 $0x1B8E;
	s24 =	sld [smem:$0x3FFE];
	[sflag:s23] =	ssyncadd.s32 $0xFFFFFFFF  }
0xa6: {  	s26 =	simm.s32 $execute0_lowered;
	[smem:$0x3FD2] =	sst s25  }
0xa7: {  	s6 =	sshll.u32 s26, $0x1;
	_ =	strace $0x80000049;
	[dreg:$0x1] =	wrdreg $0xFFFFFFFF  }
0xa8: {  	s28 =	simm.s32 $_size_execute0_lowered;
	s4 =	sadd.s32 s4, s6;
	[dreg:$0x0] =	wrdreg $0x0  }
0xa9: {  	s6 =	sshll.u32 s28, $0x1;
	[dreg:$0x2] =	wrdreg s4  }
0xaa: {  	[dreg:$0x3] =	wrdreg s6  }
0xab: {  	[dreg:$0x4] =	wrdreg $0xC0  }
0xac: {  	_ =	task [dreg:s8], $0x5FFFF  }
0xad: {  	[dreg:$0x1] =	wrdreg $0xFFFFFFFF  }
0xae: {  	[dreg:$0x0] =	wrdreg $0x60  }
0xaf: {  	[dreg:$0x2] =	wrdreg s24  }
0xb0: {  	[dreg:$0x3] =	wrdreg s2  }
0xb1: {  	[dreg:$0x4] =	wrdreg s18  }
0xb2: {  	[dreg:$0x5] =	wrdreg $0x28800  }
0xb3: {  	[dreg:$0x6] =	wrdreg $0x9  }
0xb4: {  	_ =	task.clear_ibuf [dreg:s8], $0x7FFFF;
	_ =	strace $0x90000049  }
0xb5: {  	s29 =	simm.s32 $0x9;
	_ =	strace $0x8000004B  }
0xb6: {  	_ =	swait.ge [sflag:s29], $0x1  }
0xb7: {  	[sflag:s29] =	ssyncadd.s32 $0xFFFFFFFF  }
0xb8: {  	_ =	strace $0x9000004B  }
0xb9: {  	_ =	sfence  }
0xba: {  	s30 =	sld [smem:$0x0];
	_ =	sdelay $0x2  }
0xbb: {  	s31 =	sshll.u32 s1, $0xD;
	s1 =	sshrl.u32 s1, $0x2  }
0xbc: {  	s3 =	sand.u32 $0x4000, s31;
	s1 =	sadd.s32 s1, s30  }
0xbd: {  	s0 =	sor.u32 s3, s0;
	s1 =	sshll.u32 s1, $0x11  }
0xbe: {  	s0 =	sor.u32 s1, s0  }
0xbf: {  	s0 =	sadd.s32 $0x8F2B, s0  }
0xc0: {  	[sflag:s0] =	ssyncadd.remote.s32 $0x1  }
0xc1: {  	_ =	sfence.sel $0xFFFF  }
0xc2: {  	[dreg:$0x0] =	wrdreg $0xFFFFFFFF;
	(pc) =	sbr.abs _section_cstart, $3  }
0xc3: {  	[dreg:$0x1] =	wrdreg $0xFFFFFFFF  }
0xc4: {  	_ =	task.clear_ibuf [dreg:s8], $0x2FFFF;
	_ =	strace $0x9FFFFFFF  }
0xc5: {  	(tm) =	ssettm $0x7FFFFFFF  }
tec
execute0_lowered:
.L_overlay_start_1:
0x0: {  	(tag) =	ssettag $0x1  }
0x1: {  	s0 =	rddreg [dreg:$0x0];
	s1 =	stileid.u32  }
0x2: {  	s4 =	srdreg.scid;
	s12 =	smul.u32 $0x280, s1  }
0x3: {  	s15 =	rddreg [dreg:$0x1];
	s5 =	sand.u32 $0x1, s4;
	s9 =	smul.u32 $0x50000, s1  }
0x4: {  	s2 =	rddreg [dreg:$0x3];
	s3 =	simm.s32 $0x0;
	s6 =	smul.u32 $0x4E2000, s5  }
0x5: {  	[smem:$0x7FF] =	sst s3;
	s7 =	smul.u32 $0x28000, s5;
	s5 =	ssub.s32 $0x2, s5  }
0x6: {  	s23 =	smul.u32 $0x2800, s1;
	_ =	strace $0x8000004A;
	s8 =	sshrl.u32 s5, $0x1  }
0x7: {  	s26 =	sshrl.u32 s9, $0x2;
	s16 =	sor.u32 $0x50, s12;
	s17 =	sadd.s32 $0xA0, s12  }
0x8: {  	s18 =	sadd.s32 $0xF0, s12;
	s19 =	sadd.s32 $0x140, s12;
	s20 =	sadd.s32 $0x190, s12  }
0x9: {  	s21 =	sadd.s32 $0x1E0, s12;
	s22 =	sadd.s32 $0x230, s12;
	s6 =	sadd.s32 s6, s0  }
0xa: {  	s0 =	sadd.s32 s7, s0;
	s25 =	ssub.s32 s5, s8;
	s30 =	sshll.u32 s16, $0x7  }
0xb: {  	s31 =	sshll.u32 s17, $0x7;
	s10 =	sshll.u32 s18, $0x7;
	s11 =	sshll.u32 s19, $0x7  }
0xc: {  	s13 =	sshll.u32 s20, $0x7;
	s14 =	sshll.u32 s21, $0x7;
	s4 =	sshll.u32 s22, $0x7  }
0xd: {  	s24 =	sshll.u32 s16, $0x4;
	s28 =	sshll.u32 s19, $0x4;
	s29 =	sshll.u32 s20, $0x4  }
0xe: {  	s16 =	smul.u32 $0x4E200, s1;
	s5 =	sadd.s32 $0x9C5800, s6;
	s0 =	sadd.s32 $0x1800, s0  }
0xf: {  	s6 =	sadd.s32 s26, s2;
	s7 =	smax.u32 s25, $0x1;
	s8 =	sadd.s32 s30, s2  }
0x10: {  	s9 =	sadd.s32 s31, s2;
	s10 =	sadd.s32 s10, s2;
	s11 =	sadd.s32 s11, s2  }
0x11: {  	s12 =	sadd.s32 s13, s2;
	s13 =	sadd.s32 s14, s2;
	s14 =	sadd.s32 s4, s2  }
0x12: {  	s25 =	sshll.u32 s17, $0x4;
	s26 =	sshll.u32 s18, $0x4;
	s18 =	smul.u32 $0x9C4, s1  }
0x13: {  	s30 =	sshll.u32 s21, $0x4;
	s31 =	sshll.u32 s22, $0x4;
	s17 =	sadd.s32 s23, s0  }
0x14: {  	s19 =	sadd.s32 s25, s0;
	s20 =	sadd.s32 s26, s0;
	s21 =	sadd.s32 s28, s0  }
0x15: {  	s22 =	sadd.s32 s29, s0;
	s23 =	sadd.s32 s30, s0;
	s25 =	simm.s32 $0x80  }
0x16: {  	s26 =	simm.s32 $0x1;
	s28 =	simm.s32 $0x50;
	s29 =	simm.s32 $0x0  }
0x17: {  	s15 =	sadd.s32 s18, s15;
	s18 =	sadd.s32 s24, s0;
	s24 =	sadd.s32 s31, s0  }
.LBB2_1:
0x18: {  	s0 =	rddreg [dreg:$0x2]  }
0x19: {  	[tilespmem:s25], [sflag:$0x1] =	stream.linear.gather [hbm4b:s0+s3], $0x2800, $0x38;
	[tilespmem:$0x16880] =	vst v63  }
0x1a: {  	_ =	swait.ge [sflag:s26], $0x2800  }
0x1b: {  	[sflag:s26] =	ssyncset.done $0x0  }
0x1c: {  	[sflag:s26] =	ssyncadd.s32 $0xFFFFD800  }
0x1d: {  	[spmem:s6] =	stream.linear.scatter [tilespmem:s25], [sflag:$0x1], $0x2800, $0x38;
	[tilespmem:$0x16880] =	vst v63  }
0x1e: {  	_ =	swait.ge [sflag:s26], $0x2800  }
0x1f: {  	[sflag:s26] =	ssyncset.done $0x0  }
0x20: {  	[sflag:s26] =	ssyncadd.s32 $0xFFFFD800  }
0x21: {  	[spmem:s8] =	stream.linear.scatter [tilespmem:s25], [sflag:$0x1], $0x2800, $0x38;
	[tilespmem:$0x16880] =	vst v63  }
0x22: {  	_ =	swait.ge [sflag:s26], $0x2800  }
0x23: {  	[sflag:s26] =	ssyncset.done $0x0  }
0x24: {  	[sflag:s26] =	ssyncadd.s32 $0xFFFFD800  }
0x25: {  	[spmem:s9] =	stream.linear.scatter [tilespmem:s25], [sflag:$0x1], $0x2800, $0x38;
	[tilespmem:$0x16880] =	vst v63  }
0x26: {  	_ =	swait.ge [sflag:s26], $0x2800  }
0x27: {  	[sflag:s26] =	ssyncset.done $0x0  }
0x28: {  	[sflag:s26] =	ssyncadd.s32 $0xFFFFD800  }
0x29: {  	[spmem:s10] =	stream.linear.scatter [tilespmem:s25], [sflag:$0x1], $0x2800, $0x38;
	[tilespmem:$0x16880] =	vst v63  }
0x2a: {  	_ =	swait.ge [sflag:s26], $0x2800  }
0x2b: {  	[sflag:s26] =	ssyncset.done $0x0  }
0x2c: {  	[sflag:s26] =	ssyncadd.s32 $0xFFFFD800  }
0x2d: {  	[spmem:s11] =	stream.linear.scatter [tilespmem:s25], [sflag:$0x1], $0x2800, $0x38;
	[tilespmem:$0x16880] =	vst v63  }
0x2e: {  	_ =	swait.ge [sflag:s26], $0x2800  }
0x2f: {  	[sflag:s26] =	ssyncset.done $0x0  }
0x30: {  	[sflag:s26] =	ssyncadd.s32 $0xFFFFD800  }
0x31: {  	[spmem:s12] =	stream.linear.scatter [tilespmem:s25], [sflag:$0x1], $0x2800, $0x38;
	[tilespmem:$0x16880] =	vst v63  }
0x32: {  	_ =	swait.ge [sflag:s26], $0x2800  }
0x33: {  	[sflag:s26] =	ssyncset.done $0x0  }
0x34: {  	[sflag:s26] =	ssyncadd.s32 $0xFFFFD800  }
0x35: {  	[spmem:s13] =	stream.linear.scatter [tilespmem:s25], [sflag:$0x1], $0x2800, $0x38;
	[tilespmem:$0x16880] =	vst v63  }
0x36: {  	_ =	swait.ge [sflag:s26], $0x2800  }
0x37: {  	[sflag:s26] =	ssyncset.done $0x0  }
0x38: {  	[sflag:s26] =	ssyncadd.s32 $0xFFFFD800  }
0x39: {  	[spmem:s14] =	stream.linear.scatter [tilespmem:s25], [sflag:$0x1], $0x2800, $0x38;
	[tilespmem:$0x16880] =	vst v63  }
0x3a: {  	_ =	swait.ge [sflag:s26], $0x2800  }
0x3b: {  	[sflag:s26] =	ssyncset.done $0x0  }
0x3c: {  	[sflag:s26] =	ssyncadd.s32 $0xFFFFD800  }
0x3d: {  	s1 =	sadd.s32 $0x0, s15;
	[bflag:$0x0] =	sbarrier.arrive $0xFFFF  }
0x3e: {  	[tilespmem:s3], [sflag:$0x1] =	stream.linear.gather [hbm4b:s1+s3], $0x50, $0x38;
	[tilespmem:$0x16880] =	vst v63  }
0x3f: {  	_ =	swait.ge [sflag:s26], $0x50  }
0x40: {  	[sflag:s26] =	ssyncset.done $0x0  }
0x41: {  	s4 =	sadd.s32 s16, s5;
	[sflag:s26] =	ssyncadd.s32 $0xFFFFFFB0  }
0x42: {  	[tilespmem:s25], [sflag:$0x1] =	stream.linear.gather [hbm4b:s4+s3], $0x2800, $0x38;
	[tilespmem:$0x16880] =	vst v63  }
0x43: {  	_ =	swait.ge [sflag:s26], $0x2800  }
0x44: {  	[sflag:s26] =	ssyncset.done $0x0  }
0x45: {  	[sflag:s26] =	ssyncadd.s32 $0xFFFFD800  }
0x46: {  	[spmem:s2] =	stream.indirect.scatter.add.f32 [tilespmem:s25], [sflag:$0x1], $0x80, s3, s28, $0xb8;
	[tilespmem:$0x16880] =	vst v63  }
0x47: {  	s31 =	simm.s32 $0xA;
	_ =	swait.ge [sflag:s26], $0x2800  }
0x48: {  	s30 =	sadd.s32 $0x500, s16;
	s0 =	simm.s32 $0x14;
	[sflag:s26] =	ssyncset.done $0x0  }
.LBB2_2:
0x49: {  	s4 =	sadd.s32 s31, s15  }
0x4a: {  	[sflag:s26] =	ssyncadd.s32 $0xFFFFD800;
	s31 =	smov.u32 s0;
	s1 =	sadd.s32 $0xA, s0  }
0x4b: {  	[tilespmem:s3], [sflag:$0x1] =	stream.linear.gather [hbm4b:s4+s3], $0x50, $0x38;
	[tilespmem:$0x16880] =	vst v63  }
0x4c: {  	p0 =	sne.s32 s0, $0x9BA;
	_ =	swait.ge [sflag:s26], $0x50  }
0x4d: {  	[sflag:s26] =	ssyncset.done $0x0  }
0x4e: {  	s0 =	sadd.s32 s30, s5;
	[sflag:s26] =	ssyncadd.s32 $0xFFFFFFB0  }
0x4f: {  	[tilespmem:s25], [sflag:$0x1] =	stream.linear.gather [hbm4b:s0+s3], $0x2800, $0x38;
	[tilespmem:$0x16880] =	vst v63  }
0x50: {  	_ =	swait.ge [sflag:s26], $0x2800  }
.Ltmp0:
0x51: {  	[sflag:s26] =	ssyncset.done $0x0;
	(pc) =	sbr.rel @p0 .LBB2_2-.Ltmp0, $4  }
0x52: {  	[sflag:s26] =	ssyncadd.s32 $0xFFFFD800  }
0x53: {  	[spmem:s2] =	stream.indirect.scatter.add.f32 [tilespmem:s25], [sflag:$0x1], $0x80, s3, s28, $0xb8;
	[tilespmem:$0x16880] =	vst v63  }
0x54: {  	_ =	swait.ge [sflag:s26], $0x2800  }
0x55: {  	s30 =	sadd.s32 $0x500, s30;
	s0 =	smov.u32 s1;
	[sflag:s26] =	ssyncset.done $0x0  }
0x56: {  	s0 =	sadd.s32 s31, s15;
	[sflag:s26] =	ssyncadd.s32 $0xFFFFD800  }
0x57: {  	[tilespmem:s3], [sflag:$0x1] =	stream.linear.gather [hbm4b:s0+s3], $0x50, $0x38;
	[tilespmem:$0x16880] =	vst v63  }
0x58: {  	_ =	swait.ge [sflag:s26], $0x50  }
0x59: {  	[sflag:s26] =	ssyncset.done $0x0  }
0x5a: {  	s31 =	sadd.s32 s30, s5;
	[sflag:s26] =	ssyncadd.s32 $0xFFFFFFB0  }
0x5b: {  	[tilespmem:s25], [sflag:$0x1] =	stream.linear.gather [hbm4b:s31+s3], $0x2800, $0x38;
	[tilespmem:$0x16880] =	vst v63  }
0x5c: {  	_ =	swait.ge [sflag:s26], $0x2800  }
0x5d: {  	[sflag:s26] =	ssyncset.done $0x0  }
0x5e: {  	[sflag:s26] =	ssyncadd.s32 $0xFFFFD800  }
0x5f: {  	[spmem:s2] =	stream.indirect.scatter.add.f32 [tilespmem:s25], [sflag:$0x1], $0x80, s3, s28, $0xb8;
	[tilespmem:$0x16880] =	vst v63  }
0x60: {  	_ =	swait.ge [sflag:s26], $0x2800  }
0x61: {  	[sflag:s26] =	ssyncset.done $0x0  }
0x62: {  	[sflag:s26] =	ssyncadd.s32 $0xFFFFD800  }
0x63: {  	[bflag:$0x0] =	sbarrier.arrive $0xFFFF  }
0x64: {  	[tilespmem:s25], [sflag:$0x1] =	stream.linear.gather [spmem:s6], $0x2800, $0x38;
	[tilespmem:$0x16880] =	vst v63  }
0x65: {  	_ =	swait.ge [sflag:s26], $0x2800  }
0x66: {  	[sflag:s26] =	ssyncset.done $0x0  }
0x67: {  	[sflag:s26] =	ssyncadd.s32 $0xFFFFD800  }
0x68: {  	[hbm4b:s17+s3] =	stream.linear.scatter [tilespmem:s25], [sflag:$0x1], $0x2800, $0x38;
	[tilespmem:$0x16880] =	vst v63  }
0x69: {  	_ =	swait.ge [sflag:s26], $0x2800  }
0x6a: {  	[sflag:s26] =	ssyncset.done $0x0  }
0x6b: {  	[sflag:s26] =	ssyncadd.s32 $0xFFFFD800  }
0x6c: {  	[tilespmem:s25], [sflag:$0x1] =	stream.linear.gather [spmem:s8], $0x2800, $0x38;
	[tilespmem:$0x16880] =	vst v63  }
0x6d: {  	_ =	swait.ge [sflag:s26], $0x2800  }
0x6e: {  	[sflag:s26] =	ssyncset.done $0x0  }
0x6f: {  	[sflag:s26] =	ssyncadd.s32 $0xFFFFD800  }
0x70: {  	[hbm4b:s18+s3] =	stream.linear.scatter [tilespmem:s25], [sflag:$0x1], $0x2800, $0x38;
	[tilespmem:$0x16880] =	vst v63  }
0x71: {  	_ =	swait.ge [sflag:s26], $0x2800  }
0x72: {  	[sflag:s26] =	ssyncset.done $0x0  }
0x73: {  	[sflag:s26] =	ssyncadd.s32 $0xFFFFD800  }
0x74: {  	[tilespmem:s25], [sflag:$0x1] =	stream.linear.gather [spmem:s9], $0x2800, $0x38;
	[tilespmem:$0x16880] =	vst v63  }
0x75: {  	_ =	swait.ge [sflag:s26], $0x2800  }
0x76: {  	[sflag:s26] =	ssyncset.done $0x0  }
0x77: {  	[sflag:s26] =	ssyncadd.s32 $0xFFFFD800  }
0x78: {  	[hbm4b:s19+s3] =	stream.linear.scatter [tilespmem:s25], [sflag:$0x1], $0x2800, $0x38;
	[tilespmem:$0x16880] =	vst v63  }
0x79: {  	_ =	swait.ge [sflag:s26], $0x2800  }
0x7a: {  	[sflag:s26] =	ssyncset.done $0x0  }
0x7b: {  	[sflag:s26] =	ssyncadd.s32 $0xFFFFD800  }
0x7c: {  	[tilespmem:s25], [sflag:$0x1] =	stream.linear.gather [spmem:s10], $0x2800, $0x38;
	[tilespmem:$0x16880] =	vst v63  }
0x7d: {  	_ =	swait.ge [sflag:s26], $0x2800  }
0x7e: {  	[sflag:s26] =	ssyncset.done $0x0  }
0x7f: {  	[sflag:s26] =	ssyncadd.s32 $0xFFFFD800  }
0x80: {  	[hbm4b:s20+s3] =	stream.linear.scatter [tilespmem:s25], [sflag:$0x1], $0x2800, $0x38;
	[tilespmem:$0x16880] =	vst v63  }
0x81: {  	_ =	swait.ge [sflag:s26], $0x2800  }
0x82: {  	[sflag:s26] =	ssyncset.done $0x0  }
0x83: {  	[sflag:s26] =	ssyncadd.s32 $0xFFFFD800  }
0x84: {  	[tilespmem:s25], [sflag:$0x1] =	stream.linear.gather [spmem:s11], $0x2800, $0x38;
	[tilespmem:$0x16880] =	vst v63  }
0x85: {  	_ =	swait.ge [sflag:s26], $0x2800  }
0x86: {  	[sflag:s26] =	ssyncset.done $0x0  }
0x87: {  	[sflag:s26] =	ssyncadd.s32 $0xFFFFD800  }
0x88: {  	[hbm4b:s21+s3] =	stream.linear.scatter [tilespmem:s25], [sflag:$0x1], $0x2800, $0x38;
	[tilespmem:$0x16880] =	vst v63  }
0x89: {  	_ =	swait.ge [sflag:s26], $0x2800  }
0x8a: {  	[sflag:s26] =	ssyncset.done $0x0  }
0x8b: {  	[sflag:s26] =	ssyncadd.s32 $0xFFFFD800  }
0x8c: {  	[tilespmem:s25], [sflag:$0x1] =	stream.linear.gather [spmem:s12], $0x2800, $0x38;
	[tilespmem:$0x16880] =	vst v63  }
0x8d: {  	_ =	swait.ge [sflag:s26], $0x2800  }
0x8e: {  	[sflag:s26] =	ssyncset.done $0x0  }
0x8f: {  	[sflag:s26] =	ssyncadd.s32 $0xFFFFD800  }
0x90: {  	[hbm4b:s22+s3] =	stream.linear.scatter [tilespmem:s25], [sflag:$0x1], $0x2800, $0x38;
	[tilespmem:$0x16880] =	vst v63  }
0x91: {  	_ =	swait.ge [sflag:s26], $0x2800  }
0x92: {  	[sflag:s26] =	ssyncset.done $0x0  }
0x93: {  	[sflag:s26] =	ssyncadd.s32 $0xFFFFD800  }
0x94: {  	[tilespmem:s25], [sflag:$0x1] =	stream.linear.gather [spmem:s13], $0x2800, $0x38;
	[tilespmem:$0x16880] =	vst v63  }
0x95: {  	_ =	swait.ge [sflag:s26], $0x2800  }
0x96: {  	[sflag:s26] =	ssyncset.done $0x0  }
0x97: {  	[sflag:s26] =	ssyncadd.s32 $0xFFFFD800  }
0x98: {  	[hbm4b:s23+s3] =	stream.linear.scatter [tilespmem:s25], [sflag:$0x1], $0x2800, $0x38;
	[tilespmem:$0x16880] =	vst v63  }
0x99: {  	_ =	swait.ge [sflag:s26], $0x2800  }
0x9a: {  	[sflag:s26] =	ssyncset.done $0x0  }
0x9b: {  	[sflag:s26] =	ssyncadd.s32 $0xFFFFD800  }
0x9c: {  	[tilespmem:s25], [sflag:$0x1] =	stream.linear.gather [spmem:s14], $0x2800, $0x38;
	[tilespmem:$0x16880] =	vst v63  }
0x9d: {  	s29 =	sadd.s32 $0x1, s29;
	_ =	swait.ge [sflag:s26], $0x2800  }
0x9e: {  	p0 =	sne.s32 s29, s7;
	[sflag:s26] =	ssyncset.done $0x0  }
.Ltmp1:
0x9f: {  	[sflag:s26] =	ssyncadd.s32 $0xFFFFD800;
	(pc) =	sbr.rel @p0 .LBB2_1-.Ltmp1, $4  }
0xa0: {  	[hbm4b:s24+s3] =	stream.linear.scatter [tilespmem:s25], [sflag:$0x1], $0x2800, $0x38;
	[tilespmem:$0x16880] =	vst v63  }
0xa1: {  	_ =	swait.ge [sflag:s26], $0x2800  }
0xa2: {  	[sflag:s26] =	ssyncset.done $0x0  }
0xa3: {  	[sflag:s26] =	ssyncadd.s32 $0xFFFFD800  }
0xa4: {  	_ =	sfence.sel $0x180000  }
0xa5: {  	[bflag:$0x0] =	sbarrier.arrive $0xFFFF  }
0xa6: {  	_ =	strace $0x9000004A  }
0xa7: {  	s0 =	stileid.u32;
	[bflag:$0x2] =	sbarrier.arrive $0xFFFF  }
0xa8: {  	p0 =	sne.s32 s0, $0x0;
	s0 =	rddreg [dreg:$0x4]  }
0xa9: {  	s0 =	sadd.s32 @!p0 $0x100000, s0  }
0xaa: {  	[sflag:s0] =	ssyncadd.tile.s32 @!p0 $0x1;
	_ =	shalt  }
.Lfunc_end2:
_tile_overlayer_lowered:
.L_overlay_start_2:
0xab: {  	(tag) =	ssettag $0x2  }
0xac: {  	s0 =	rddreg [dreg:$0x0];
	s2 =	stileid.u32  }
0xad: {  	s1 =	rddreg [dreg:$0x1];
	p0 =	sne.s32 s2, $0x0  }
0xae: {  	s3 =	rddreg [dreg:$0x2];
	[bflag:$0x3] =	sbarrier.arrive $0xFFFF;
	s2 =	simm.s32 @!p0 $0x1C01  }
0xaf: {  	[timem:s3], [sflag:s2] =	dma.local @!p0 [hbm:s0], s1  }
0xb0: {  	s0 =	simm.s32 @!p0 $0x1  }
0xb1: {  	_ =	swait.ge @!p0 [sflag:s0], s1  }
0xb2: {  	s1 =	ssub.s32 @!p0 $0x0, s1;
	[sflag:s0] =	ssyncset.done @!p0 $0x0  }
0xb3: {  	[sflag:s0] =	ssyncadd.s32 @!p0 s1  }
0xb4: {  	[bflag:$0x3] =	sbarrier.arrive $0xFFFF  }
0xb5: {  	_ =	shalt  }

// kernel: kernel.7.cloned.1.call-start
scs
__scs_entry_jumppad:
0x0: {  	(pc) =	sbr.rel $0x88, $3  }
0x1: {  	(tag) =	ssettag $0x0;
	lr =	simm.s32 $0x1  }
0x2: {  	[smem:$0x3F9A] =	sst lr;
	_ =	strace $0xD0000000  }
0x3: {  	_ = 	snop  }
0x4: {  	_ = 	snop  }
0x5: {  	_ = 	snop  }
0x6: {  	_ = 	snop  }
0x7: {  	_ = 	snop  }
__scs_overlays_trampoline_lowered:
0x8: {  	[smem:$0x3FA9] =	sst s0  }
0x9: {  	[smem:$0x3FAA] =	sst s1  }
0xa: {  	[smem:$0x3FAB] =	sst s2  }
0xb: {  	[smem:$0x3FAC] =	sst s3  }
0xc: {  	[smem:$0x3FAD] =	sst s4  }
0xd: {  	[smem:$0x3FAE] =	sst s5  }
0xe: {  	[smem:$0x3FAF] =	sst s6  }
0xf: {  	[smem:$0x3FB0] =	sst s7  }
0x10: {  	[smem:$0x3FB1] =	sst s8  }
0x11: {  	[smem:$0x3FB2] =	sst s9;
	s0 =	simm.s32 @!p0 $0x0  }
0x12: {  	s1 =	sld [smem:$0x3F98];
	s0 =	simm.s32 @p0 $0x1  }
0x13: {  	[smem:$0x3FB3] =	sst s0;
	s0 =	simm.s32 @!p1 $0x0  }
0x14: {  	s2 =	sld [smem:$0x3F97];
	s0 =	simm.s32 @p1 $0x1  }
0x15: {  	[smem:$0x3FB4] =	sst s0;
	s0 =	simm.s32 @!p2 $0x0  }
0x16: {  	s3 =	sld [smem:$0x3FDB];
	s0 =	simm.s32 @p2 $0x1  }
0x17: {  	s4 =	simm.s32 $0x1BF5;
	[smem:$0x3FB6] =	sst s0  }
0x18: {  	s0 =	sld [smem:$0x3F99];
	_ =	swait.ge [sflag:s4], $0x0  }
0x19: {  	s7 =	sld [smem:$0x3F9A]  }
0x1a: {  	s8 =	sadd.s32 $0xFFFFE003, lr  }
0x1b: {  	s9 =	sadd.s32 $0xFFFFFEF7, lr;
	s5 =	simm.s32 $0xFFFFFFFF;
	p2 =	slt.u32 s8, $0xFFFFF086  }
0x1c: {  	p1 =	slt.u32 s9, $0xF7A;
	s5 =	simm.s32 @!p2 $0x0  }
0x1d: {  	s5 =	simm.s32 @p1 $0x1;
	p0 =	seq.s32 s7, s2  }
0x1e: {  	s7 =	smul.u32 @!p0 $0xF7A, s2;
	p2 =	seq.s32 @!p0 s5, $0x0  }
0x1f: {  	s9 =	smul.u32 $0xF7A, s1;
	s8 =	simm.s32 @!p0 $0x1BF5;
	p2 =	por !p2, p0  }
0x20: {  	[sflag:s8] =	ssyncset.s32 @!p0 $0xFFFFF086;
	s6 =	sadd.s32 @!p0 s3, s7;
	s7 =	simm.s32 @!p0 $0x108  }
0x21: {  	s3 =	sadd.s32 s3, s9;
	s6 =	sadd.s32 @!p0 $0x88, s6;
	s7 =	simm.s32 @p2 $0x1082  }
0x22: {  	[simem:s7], [sflag:s8] =	dma.local @!p0 [hbm:s6], $0xF7A  }
0x23: {  	s9 =	sor.u32 $0xD0000000, s2;
	s6 =	simm.s32 $0x108;
	_ =	swait.ge @!p0 [sflag:s8], $0x0  }
0x24: {  	s3 =	sadd.s32 $0x88, s3;
	s6 =	simm.s32 @!p1 $0x1082;
	[sflag:s4] =	ssyncset.s32 $0xFFFFF086  }
0x25: {  	[simem:s6], [sflag:s4] =	dma.local [hbm:s3], $0xF7A  }
0x26: {  	[smem:$0x3F9A] =	sst s1;
	(tag) =	ssettag s2;
	_ =	strace s9  }
0x27: {  	s1 =	sld [smem:$0x3FAA]  }
0x28: {  	s2 =	sld [smem:$0x3FAB]  }
0x29: {  	s4 =	sld [smem:$0x3FAD]  }
0x2a: {  	p0 =	seq.s32 s5, $0x0;
	s5 =	sld [smem:$0x3FAE]  }
0x2b: {  	s6 =	sld [smem:$0x3FAF]  }
0x2c: {  	s7 =	sld [smem:$0x3FB0]  }
0x2d: {  	s3 =	simm.s32 $0x108;
	s8 =	sld [smem:$0x3FB1]  }
0x2e: {  	s3 =	simm.s32 @!p0 $0x1082;
	s9 =	sld [smem:$0x3FB2]  }
0x2f: {  	lr =	sadd.s32 s0, s3;
	s0 =	sld [smem:$0x3FA9]  }
0x30: {  	s3 =	sld [smem:$0x3FAC]  }
0x31: {  	[smem:$0x3FB5] =	sst s10  }
0x32: {  	s10 =	sld [smem:$0x3FB3];
	_ =	sdelay $0x3  }
0x33: {  	p0 =	seq.s32 s10, $0x1;
	s10 =	sld [smem:$0x3FB5];
	_ =	sdelay $0x3  }
0x34: {  	[smem:$0x3FB5] =	sst s10  }
0x35: {  	s10 =	sld [smem:$0x3FB4];
	_ =	sdelay $0x3  }
0x36: {  	p1 =	seq.s32 s10, $0x1;
	s10 =	sld [smem:$0x3FB5];
	_ =	sdelay $0x3  }
0x37: {  	[smem:$0x3FB5] =	sst s10  }
0x38: {  	s10 =	sld [smem:$0x3FB6]  }
0x39: {  	_ = 	snop;
	(pc) =	sbr.ind lr, $3  }
0x3a: {  	_ = 	snop  }
0x3b: {  	_ = 	snop  }
0x3c: {  	p2 =	seq.s32 s10, $0x1;
	s10 =	sld [smem:$0x3FB5]  }
0x3d: {  	_ =	shalt  }
0x3e: {  	_ =	shalt  }
0x3f: {  	_ =	shalt  }
0x40: {  	_ =	shalt  }
0x41: {  	_ =	shalt  }
0x42: {  	_ =	shalt  }
0x43: {  	_ =	shalt  }
0x44: {  	_ =	shalt  }
0x45: {  	_ =	shalt  }
0x46: {  	_ =	shalt  }
0x47: {  	_ =	shalt  }
0x48: {  	_ =	shalt  }
0x49: {  	_ =	shalt  }
0x4a: {  	_ =	shalt  }
0x4b: {  	_ =	shalt  }
0x4c: {  	_ =	shalt  }
0x4d: {  	_ =	shalt  }
0x4e: {  	_ =	shalt  }
0x4f: {  	_ =	shalt  }
0x50: {  	_ =	shalt  }
0x51: {  	_ =	shalt  }
0x52: {  	_ =	shalt  }
0x53: {  	_ =	shalt  }
0x54: {  	_ =	shalt  }
0x55: {  	_ =	shalt  }
0x56: {  	_ =	shalt  }
0x57: {  	_ =	shalt  }
0x58: {  	_ =	shalt  }
0x59: {  	_ =	shalt  }
0x5a: {  	_ =	shalt  }
0x5b: {  	_ =	shalt  }
0x5c: {  	_ =	shalt  }
0x5d: {  	_ =	shalt  }
0x5e: {  	_ =	shalt  }
0x5f: {  	_ =	shalt  }
0x60: {  	_ =	shalt  }
0x61: {  	_ =	shalt  }
0x62: {  	_ =	shalt  }
0x63: {  	_ =	shalt  }
0x64: {  	_ =	shalt  }
0x65: {  	_ =	shalt  }
0x66: {  	_ =	shalt  }
0x67: {  	_ =	shalt  }
0x68: {  	_ =	shalt  }
0x69: {  	_ =	shalt  }
0x6a: {  	_ =	shalt  }
0x6b: {  	_ =	shalt  }
0x6c: {  	_ =	shalt  }
0x6d: {  	_ =	shalt  }
0x6e: {  	_ =	shalt  }
0x6f: {  	_ =	shalt  }
0x70: {  	_ =	shalt  }
0x71: {  	_ =	shalt  }
0x72: {  	_ =	shalt  }
0x73: {  	_ =	shalt  }
0x74: {  	_ =	shalt  }
0x75: {  	_ =	shalt  }
0x76: {  	_ =	shalt  }
0x77: {  	_ =	shalt  }
0x78: {  	_ =	shalt  }
0x79: {  	_ =	shalt  }
0x7a: {  	_ =	shalt  }
0x7b: {  	_ =	shalt  }
0x7c: {  	_ =	shalt  }
0x7d: {  	_ =	shalt  }
0x7e: {  	_ =	shalt  }
0x7f: {  	_ =	shalt  }
0x80: {  	_ =	shalt  }
0x81: {  	_ =	shalt  }
0x82: {  	_ =	shalt  }
0x83: {  	_ =	shalt  }
0x84: {  	_ =	shalt  }
0x85: {  	_ =	shalt  }
0x86: {  	_ =	shalt  }
0x87: {  	_ =	shalt  }
.Lfunc_end0:
.L_simem_size_0:
called_computation_lowered:
.L_overlay_start_0:
0x88: {  	s2 =	sld [smem:$0x3FD9]  }
0x89: {  	s3 =	sld [smem:$0x3FFE];
	_ =	sdelay $0x1  }
0x8a: {  	s1 =	srdreg.scid  }
0x8b: {  	s0 =	sand.u32 $0x1, s1  }
0x8c: {  	s17 =	sshll.u32 s0, $0xA;
	s2 =	sadd.s32 s3, s2  }
0x8d: {  	s2 =	sadd.s32 s2, s17  }
0x8e: {  	[smem:$0x3FC1] =	sst s2  }
0x8f: {  	_ = 	snop  }
0x90: {  	s2 =	sld [smem:$0x3FC7]  }
0x91: {  	s18 =	sld [smem:$0x3FD0];
	(tm) =	ssettm $0x1  }
0x92: {  	s4 =	sld [smem:$0x3FFB];
	_ =	sdelay $0x3  }
0x93: {  	_ =	strace s4  }
0x94: {  	s4 =	sld [smem:$0x3FFC];
	_ =	sdelay $0x3  }
0x95: {  	_ =	strace s4  }
0x96: {  	s4 =	sld [smem:$0x3FFD];
	_ =	sdelay $0x3  }
0x97: {  	_ =	strace s4  }
0x98: {  	_ =	strace $0x8FFFFFFF  }
0x99: {  	s19 =	sld [smem:$0x3FDB];
	_ =	sdelay $0x1  }
0x9a: {  	s5 =	simm.s32 $_scs_section_size  }
0x9b: {  	s6 =	simm.s32 $_size__tile_overlayer_lowered;
	s7 =	simm.s32 $_tile_overlayer_lowered  }
0x9c: {  	s22 =	simm.s32 $0x1BFF;
	s21 =	sshll.u32 s7, $0x1;
	s4 =	sadd.s32 s5, s19  }
0x9d: {  	s8 =	simm.s32 $0x0;
	s20 =	sshll.u32 s6, $0x1;
	s6 =	sadd.s32 s21, s4  }
0x9e: {  	[timem:s8], [sflag:s22] =	dma.local [hbm:s6], s20  }
0x9f: {  	_ =	swait.ge [sflag:s22], s20  }
0xa0: {  	s5 =	ssub.s32 $0x0, s20;
	[sflag:s22] =	ssyncset.done $0x0  }
0xa1: {  	[sflag:s22] =	ssyncadd.s32 s5;
	_ =	sdelay $0x1  }
0xa2: {  	s23 =	simm.s32 $0x1B8B  }
0xa3: {  	_ =	swait.ge [sflag:s23], $0x1  }
0xa4: {  	[sflag:s23] =	ssyncset.done $0x0  }
0xa5: {  	s25 =	simm.s32 $0x1B8E;
	s24 =	sld [smem:$0x3FFE];
	[sflag:s23] =	ssyncadd.s32 $0xFFFFFFFF  }
0xa6: {  	s26 =	simm.s32 $execute0_lowered;
	[smem:$0x3FD2] =	sst s25  }
0xa7: {  	s6 =	sshll.u32 s26, $0x1;
	_ =	strace $0x80000046;
	[dreg:$0x1] =	wrdreg $0xFFFFFFFF  }
0xa8: {  	s28 =	simm.s32 $_size_execute0_lowered;
	s4 =	sadd.s32 s4, s6;
	[dreg:$0x0] =	wrdreg $0x0  }
0xa9: {  	s6 =	sshll.u32 s28, $0x1;
	[dreg:$0x2] =	wrdreg s4  }
0xaa: {  	[dreg:$0x3] =	wrdreg s6  }
0xab: {  	[dreg:$0x4] =	wrdreg $0xC0  }
0xac: {  	_ =	task [dreg:s8], $0x5FFFF  }
0xad: {  	[dreg:$0x1] =	wrdreg $0xFFFFFFFF  }
0xae: {  	[dreg:$0x0] =	wrdreg $0x60  }
0xaf: {  	[dreg:$0x2] =	wrdreg s18  }
0xb0: {  	[dreg:$0x3] =	wrdreg s2  }
0xb1: {  	[dreg:$0x4] =	wrdreg s24  }
0xb2: {  	[dreg:$0x5] =	wrdreg $0x9  }
0xb3: {  	_ =	task.clear_ibuf [dreg:s8], $0x6FFFF;
	_ =	strace $0x90000046  }
0xb4: {  	s29 =	simm.s32 $0x9;
	_ =	strace $0x80000048  }
0xb5: {  	_ =	swait.ge [sflag:s29], $0x1  }
0xb6: {  	[sflag:s29] =	ssyncadd.s32 $0xFFFFFFFF  }
0xb7: {  	_ =	strace $0x90000048  }
0xb8: {  	_ =	sfence  }
0xb9: {  	s30 =	sld [smem:$0x0];
	_ =	sdelay $0x2  }
0xba: {  	s31 =	sshll.u32 s1, $0xD;
	s1 =	sshrl.u32 s1, $0x2  }
0xbb: {  	s3 =	sand.u32 $0x4000, s31;
	s1 =	sadd.s32 s1, s30  }
0xbc: {  	s0 =	sor.u32 s3, s0;
	s1 =	sshll.u32 s1, $0x11  }
0xbd: {  	s0 =	sor.u32 s1, s0  }
0xbe: {  	s0 =	sadd.s32 $0x8F2B, s0  }
0xbf: {  	[sflag:s0] =	ssyncadd.remote.s32 $0x1  }
0xc0: {  	_ =	sfence.sel $0xFFFF  }
0xc1: {  	[dreg:$0x0] =	wrdreg $0xFFFFFFFF;
	(pc) =	sbr.abs _section_cstart, $3  }
0xc2: {  	[dreg:$0x1] =	wrdreg $0xFFFFFFFF  }
0xc3: {  	_ =	task.clear_ibuf [dreg:s8], $0x2FFFF;
	_ =	strace $0x9FFFFFFF  }
0xc4: {  	(tm) =	ssettm $0x7FFFFFFF  }
0xc5: {  	_ =	shalt  }
tec
execute0_lowered:
.L_overlay_start_1:
0x0: {  	(tag) =	ssettag $0x1  }
0x1: {  	s1 =	rddreg [dreg:$0x0]  }
0x2: {  	s0 =	stileid.u32;
	s6 =	rddreg [dreg:$0x1]  }
0x3: {  	s2 =	srdreg.scid;
	s7 =	rddreg [dreg:$0x2]  }
0x4: {  	s3 =	simm.s32 $0x0;
	s11 =	simm.s32 $0x0;
	s4 =	smul.u32 $0x4E200, s0  }
0x5: {  	s5 =	sand.u32 $0x1, s2;
	s2 =	rddreg [dreg:$0x3];
	s9 =	smul.u32 $0x4E20, s0  }
0x6: {  	[smem:$0x7FF] =	sst s3;
	s8 =	smul.u32 $0x27100, s5;
	s10 =	ssub.s32 $0x2, s5  }
0x7: {  	s5 =	smul.u32 $0x2710, s5;
	s4 =	sadd.s32 s4, s7;
	s30 =	sshrl.u32 s10, $0x1  }
0x8: {  	_ =	strace $0x80000047;
	s7 =	ssub.s32 s10, s30;
	s8 =	sadd.s32 s8, s4  }
0x9: {  	s9 =	sadd.s32 s5, s9;
	s10 =	simm.s32 $0x1;
	s4 =	smax.u32 s7, $0x1  }
0xa: {  	s5 =	sadd.s32 $0x1800, s8;
	s31 =	sshrl.u32 s9, $0x3;
	s7 =	simm.s32 $0x2  }
0xb: {  	s8 =	simm.s32 $0x50;
	s9 =	simm.s32 $0x80;
	s6 =	sadd.s32 s31, s6  }
.LBB2_1:
0xc: {  	s12 =	sadd.s32 $0x0, s6  }
0xd: {  	[tilespmem:s3], [sflag:$0x2] =	stream.linear.gather [hbm4b:s12+s3], $0x50, $0x38;
	[tilespmem:$0x2880] =	vst v63  }
0xe: {  	_ =	swait.ge [sflag:s7], $0x50  }
0xf: {  	[sflag:s7] =	ssyncset.done $0x0  }
0x10: {  	[sflag:s7] =	ssyncadd.s32 $0xFFFFFFB0  }
0x11: {  	[tilespmem:s9], [sflag:$0x1] =	stream.indirect.gather [hbm4b:s1+s8], $0x80, s3, s8, $0xb8;
	[tilespmem:$0x2880] =	vst v63  }
0x12: {  	_ =	swait.ge [sflag:s10], $0x2800  }
0x13: {  	[sflag:s10] =	ssyncset.done $0x0  }
0x14: {  	[sflag:s10] =	ssyncadd.s32 $0xFFFFD800  }
0x15: {  	[hbm4b:s5+s3] =	stream.linear.scatter [tilespmem:s9], [sflag:$0x2], $0x2800, $0x38;
	[tilespmem:$0x2880] =	vst v63  }
0x16: {  	s13 =	simm.s32 $0xA;
	_ =	swait.ge [sflag:s7], $0x2800  }
0x17: {  	s14 =	simm.s32 $0x14;
	s12 =	sadd.s32 $0x500, s5;
	[sflag:s7] =	ssyncset.done $0x0  }
.LBB2_2:
0x18: {  	s15 =	sadd.s32 s13, s6  }
0x19: {  	[sflag:s7] =	ssyncadd.s32 $0xFFFFD800;
	s13 =	smov.u32 s14;
	s16 =	sadd.s32 $0xA, s14  }
0x1a: {  	[tilespmem:s3], [sflag:$0x2] =	stream.linear.gather [hbm4b:s15+s3], $0x50, $0x38;
	[tilespmem:$0x2880] =	vst v63  }
0x1b: {  	p0 =	sne.s32 s14, $0x4D8;
	_ =	swait.ge [sflag:s7], $0x50  }
0x1c: {  	[sflag:s7] =	ssyncset.done $0x0  }
0x1d: {  	[sflag:s7] =	ssyncadd.s32 $0xFFFFFFB0  }
0x1e: {  	[tilespmem:s9], [sflag:$0x1] =	stream.indirect.gather [hbm4b:s1+s8], $0x80, s3, s8, $0xb8;
	[tilespmem:$0x2880] =	vst v63  }
0x1f: {  	_ =	swait.ge [sflag:s10], $0x2800  }
.Ltmp0:
0x20: {  	[sflag:s10] =	ssyncset.done $0x0;
	(pc) =	sbr.rel @p0 .LBB2_2-.Ltmp0, $4  }
0x21: {  	[sflag:s10] =	ssyncadd.s32 $0xFFFFD800  }
0x22: {  	[hbm4b:s12+s3] =	stream.linear.scatter [tilespmem:s9], [sflag:$0x2], $0x2800, $0x38;
	[tilespmem:$0x2880] =	vst v63  }
0x23: {  	_ =	swait.ge [sflag:s7], $0x2800  }
0x24: {  	s14 =	smov.u32 s16;
	s12 =	sadd.s32 $0x500, s12;
	[sflag:s7] =	ssyncset.done $0x0  }
0x25: {  	s13 =	sadd.s32 s13, s6;
	[sflag:s7] =	ssyncadd.s32 $0xFFFFD800  }
0x26: {  	[tilespmem:s3], [sflag:$0x2] =	stream.linear.gather [hbm4b:s13+s3], $0x50, $0x38;
	[tilespmem:$0x2880] =	vst v63  }
0x27: {  	_ =	swait.ge [sflag:s7], $0x50  }
0x28: {  	[sflag:s7] =	ssyncset.done $0x0  }
0x29: {  	[sflag:s7] =	ssyncadd.s32 $0xFFFFFFB0  }
0x2a: {  	[tilespmem:s9], [sflag:$0x1] =	stream.indirect.gather [hbm4b:s1+s8], $0x80, s3, s8, $0xb8;
	[tilespmem:$0x2880] =	vst v63  }
0x2b: {  	s11 =	sadd.s32 $0x1, s11;
	_ =	swait.ge [sflag:s10], $0x2800  }
0x2c: {  	p0 =	sne.s32 s11, s4;
	[sflag:s10] =	ssyncset.done $0x0  }
.Ltmp1:
0x2d: {  	[sflag:s10] =	ssyncadd.s32 $0xFFFFD800;
	(pc) =	sbr.rel @p0 .LBB2_1-.Ltmp1, $4  }
0x2e: {  	[hbm4b:s12+s3] =	stream.linear.scatter [tilespmem:s9], [sflag:$0x2], $0x2800, $0x38;
	[tilespmem:$0x2880] =	vst v63  }
0x2f: {  	_ =	swait.ge [sflag:s7], $0x2800  }
0x30: {  	[sflag:s7] =	ssyncset.done $0x0  }
0x31: {  	[sflag:s7] =	ssyncadd.s32 $0xFFFFD800  }
0x32: {  	_ =	sfence.sel $0x180000  }
0x33: {  	[bflag:$0x0] =	sbarrier.arrive $0xFFFF  }
0x34: {  	p0 =	sne.s32 s0, $0x0;
	_ =	strace $0x90000047  }
0x35: {  	s0 =	sadd.s32 @!p0 $0x100000, s2;
	[bflag:$0x2] =	sbarrier.arrive $0xFFFF  }
0x36: {  	[sflag:s0] =	ssyncadd.tile.s32 @!p0 $0x1;
	_ =	shalt  }
.Lfunc_end2:
_tile_overlayer_lowered:
.L_overlay_start_2:
0x37: {  	(tag) =	ssettag $0x2  }
0x38: {  	s0 =	rddreg [dreg:$0x0];
	s2 =	stileid.u32  }
0x39: {  	s1 =	rddreg [dreg:$0x1];
	p0 =	sne.s32 s2, $0x0  }
0x3a: {  	s3 =	rddreg [dreg:$0x2];
	[bflag:$0x3] =	sbarrier.arrive $0xFFFF;
	s2 =	simm.s32 @!p0 $0x1C02  }
0x3b: {  	[timem:s3], [sflag:s2] =	dma.local @!p0 [hbm:s0], s1  }
0x3c: {  	s0 =	simm.s32 @!p0 $0x2  }
0x3d: {  	_ =	swait.ge @!p0 [sflag:s0], s1  }
0x3e: {  	s1 =	ssub.s32 @!p0 $0x0, s1;
	[sflag:s0] =	ssyncset.done @!p0 $0x0  }
0x3f: {  	[sflag:s0] =	ssyncadd.s32 @!p0 s1  }
0x40: {  	[bflag:$0x3] =	sbarrier.arrive $0xFFFF  }
0x41: {  	_ =	shalt  }

</sc_bundles>
